<compile_context>
chip_gen: v7x
topology: tpu7x:2x2x1
jax: 0.10.2.dev20260603
libtpu: 0.0.44.dev20260713+nightly
codegen_flags: <defaults>
</compile_context>

<pallas_src>
import functools

import jax
import jax.numpy as jnp
from jax import lax
from jax.experimental import pallas as pl
from jax.experimental.pallas import tpu as pltpu
from jax.experimental.pallas import tpu_sc as plsc

NUM_CLASSES = 1000
EPS = 0.1
BATCH = 16384
A = EPS / (NUM_CLASSES - 1)
B_COEF = 1.0 - EPS - A

SPLIT = 1024
BR = 1024

_NC, _NS, _L = 2, 16, 16
_NW = _NC * _NS
_RPW = SPLIT // _NW
_NG = _RPW // _L


def _dense_body(x_ref, t_ref, out_ref):
    i = pl.program_id(0)
    x = x_ref[...]
    t = t_ref[0, 0, :]
    m = jnp.max(x, axis=1, keepdims=True)
    s = jnp.sum(jnp.exp(x - m), axis=1)
    lse = jnp.log(s) + m[:, 0]
    row_sum = jnp.sum(x, axis=1)
    col = lax.broadcasted_iota(jnp.int32, x.shape, 1)
    tgt = jnp.sum(jnp.where(col == t[:, None], x, 0.0), axis=1)
    part = jnp.sum(lse - A * row_sum - B_COEF * tgt) * (1.0 / BATCH)

    @pl.when(i == 0)
    def _():
        out_ref[...] = jnp.zeros((1, 1), jnp.float32)

    out_ref[...] += jnp.reshape(part, (1, 1))


def _tc_dense(logits, targets):
    n_blocks = (BATCH - SPLIT) // BR
    off = SPLIT // BR
    t3 = targets.astype(jnp.int32).reshape(BATCH // BR, 1, BR)
    return pl.pallas_call(
        _dense_body,
        grid=(n_blocks,),
        in_specs=[
            pl.BlockSpec((BR, NUM_CLASSES), lambda i: (i + off, 0)),
            pl.BlockSpec((1, 1, BR), lambda i: (i + off, 0, 0)),
        ],
        out_specs=pl.BlockSpec((1, 1), lambda i: (0, 0)),
        out_shape=jax.ShapeDtypeStruct((1, 1), jnp.float32),
    )(logits, t3)


@functools.partial(
    pl.kernel,
    mesh=plsc.VectorSubcoreMesh(core_axis_name="c", subcore_axis_name="s"),
    out_type=(
        jax.ShapeDtypeStruct((SPLIT * _L,), jnp.float32),
        jax.ShapeDtypeStruct((_NW * _L,), jnp.float32),
    ),
    scratch_types=[
        pltpu.VMEM((_RPW * _L,), jnp.int32),
        pltpu.VMEM((_L, NUM_CLASSES), jnp.float32),
        pltpu.VMEM((_L, NUM_CLASSES), jnp.float32),
        pltpu.VMEM((_RPW * _L,), jnp.float32),
        pltpu.VMEM((_L,), jnp.float32),
        pltpu.SemaphoreType.DMA,
        pltpu.SemaphoreType.DMA,
        pltpu.SemaphoreType.DMA,
    ],
    compiler_params=pltpu.CompilerParams(use_tc_tiling_on_sc=True, needs_layout_passes=False),
)
def _sc_dense(x_hbm, tb_hbm, se_hbm, acc_hbm, t_v, buf0, buf1, se_v, acc_v, s0, s1, s2):
    wid = lax.axis_index("s") * _NC + lax.axis_index("c")
    base = wid * _RPW
    pltpu.sync_copy(tb_hbm.at[pl.ds(base * _L, _RPW * _L)], t_v)
    bufs = (buf0, buf1)
    sems = (s0, s1)
    lane = lax.iota(jnp.int32, _L)
    n_full = NUM_CLASSES // _L
    rem_lo = n_full * _L

    def fill(g):
        b, sem = bufs[g % 2], sems[g % 2]
        return pltpu.async_copy(x_hbm.at[pl.ds(base + g * _L, _L)], b, sem)

    pending = fill(0)
    acc = jnp.zeros((_L,), jnp.float32)
    zero = jnp.zeros((_L,), jnp.float32)
    for g in range(_NG):
        cur = bufs[g % 2]
        to_drain = pending
        pending = fill(g + 1) if g + 1 < _NG else None
        to_drain.wait()

        def row_step(r, acc_c):
            t_spl = t_v[pl.ds((g * _L + r) * _L, _L)]

            def col_step(c, inner):
                s_acc, sum_acc, tgt_acc = inner
                v = cur[r, pl.ds(c * _L, _L)]
                s_acc = s_acc + jnp.exp(v)
                sum_acc = sum_acc + v
                tgt_acc = tgt_acc + jnp.where(c * _L + lane == t_spl, v, 0.0)
                return s_acc, sum_acc, tgt_acc

            s_acc, sum_acc, tgt_acc = lax.fori_loop(
                0, n_full, col_step, (zero, zero, zero), unroll=2
            )
            v = cur[r, pl.ds(rem_lo - 8, _L)]
            sel = lane >= 8
            s_acc = s_acc + jnp.where(sel, jnp.exp(v), 0.0)
            sum_acc = sum_acc + jnp.where(sel, v, 0.0)
            tgt_acc = tgt_acc + jnp.where(
                sel & (rem_lo - 8 + lane == t_spl), v, 0.0
            )
            se_v[pl.ds((g * _L + r) * _L, _L)] = s_acc
            return acc_c - A * sum_acc - B_COEF * tgt_acc

        acc = lax.fori_loop(0, _L, row_step, acc)
    pltpu.sync_copy(se_v, se_hbm.at[pl.ds(base * _L, _RPW * _L)])
    acc_v[...] = acc
    pltpu.async_copy(acc_v, acc_hbm.at[pl.ds(wid * _L, _L)], s2).wait()


def _finish_body(se_ref, acc_ref, tc_ref, out_ref):
    se = se_ref[...]
    total = jnp.sum(acc_ref[...])
    for k in range(8):
        row_sums = jnp.sum(se[:, k * _L : (k + 1) * _L], axis=1)
        total = total + jnp.sum(jnp.log(row_sums))
    out_ref[...] = tc_ref[...] + jnp.reshape(total * (1.0 / BATCH), (1, 1))


def _finisher(se, acc, tc_part):
    se2 = se.reshape(SPLIT // 8, 128)
    acc2 = acc.reshape(_NW * _L // 128, 128)
    return pl.pallas_call(
        _finish_body,
        grid=(1,),
        in_specs=[
            pl.BlockSpec((SPLIT // 8, 128), lambda i: (0, 0)),
            pl.BlockSpec((_NW * _L // 128, 128), lambda i: (0, 0)),
            pl.BlockSpec((1, 1), lambda i: (0, 0)),
        ],
        out_specs=pl.BlockSpec((1, 1), lambda i: (0, 0)),
        out_shape=jax.ShapeDtypeStruct((1, 1), jnp.float32),
    )(se2, acc2, tc_part)


@jax.jit
def kernel(logits, targets):
    t32 = targets.astype(jnp.int32)
    t_bcast = jnp.broadcast_to(t32[:SPLIT, None], (SPLIT, _L)).reshape(-1)
    se, acc = _sc_dense(logits, t_bcast)
    tc_part = _tc_dense(logits, targets)
    return _finisher(se, acc, tc_part)[0, 0]

# --- scband reference (transcript-rebuilt; emitter-appended) ---
"""Pipeline reference for scband-loss-17136919511434 (READ-ONLY COPY).

The authoritative reference and input builder live on the scoring server;
editing this copy changes nothing except your own understanding.
"""

import jax, jax.numpy as jnp
import numpy as np

NUM_CLASSES = 1000
LABEL_SMOOTHING = 0.1
BATCH = 16384


def setup_inputs(seed: int = 0) -> dict:
    key = jax.random.key(seed)
    k1, k2 = jax.random.split(key)
    logits = jax.random.normal(k1, (BATCH, NUM_CLASSES), dtype=jnp.float32)
    targets = jax.random.randint(k2, (BATCH,), 0, NUM_CLASSES, dtype=jnp.int64) if jax.config.jax_enable_x64 else jax.random.randint(k2, (BATCH,), 0, NUM_CLASSES, dtype=jnp.int32)
    return {"logits": logits, "targets": targets}


def smooth_one_hot(targets):
    # Faithful translation of _Loss.smooth_one_hot: fill with eps/(C-1),
    # scatter 1 - eps at the target index (scatter-overwrite -> .at[].set).
    n = targets.shape[0]
    new_targets = jnp.full((n, NUM_CLASSES), LABEL_SMOOTHING / (NUM_CLASSES - 1), dtype=jnp.float32)
    new_targets = new_targets.at[jnp.arange(n), targets].set(1.0 - LABEL_SMOOTHING)
    # original computes this under torch.no_grad()
    return jax.lax.stop_gradient(new_targets)


def reference(logits, targets):
    # Concrete loss_fn: standard label-smoothed cross entropy over the
    # smoothed one-hot targets, with reduction='mean'.
    one_hot = smooth_one_hot(targets)
    log_probs = jax.nn.log_softmax(logits, axis=-1)
    per_example = -jnp.sum(one_hot * log_probs, axis=-1)
    return jnp.mean(per_example)

if __name__ == "__main__":
    import jax
    _d = setup_inputs()
    print(jax.jit(kernel)(*tuple(_d.values())))

</pallas_src>

<mosaic_0001>
#map = affine_map<(d0, d1) -> (0, 0)>
#map1 = affine_map<(d0, d1) -> (0)>
module attributes {stable_mosaic.version = 14 : i64} {
  func.func @_sc_dense(%arg0: i32, %arg1: i32, %arg2: memref<16384x1000xf32, #tpu.memory_space<hbm>>, %arg3: memref<16384xi32, #tpu.memory_space<hbm>>, %arg4: memref<16384xf32, #tpu.memory_space<hbm>>, %arg5: memref<512xf32, #tpu.memory_space<hbm>>, %arg6: memref<512xi32, #tpu.memory_space<vmem>>, %arg7: memref<16x1000xf32, #tpu.memory_space<vmem>>, %arg8: memref<16x1000xf32, #tpu.memory_space<vmem>>, %arg9: memref<512xf32, #tpu.memory_space<vmem>>, %arg10: memref<16xf32, #tpu.memory_space<vmem>>, %arg11: memref<!tpu.dma_semaphore, #tpu.memory_space<semaphore_mem>>, %arg12: memref<!tpu.dma_semaphore, #tpu.memory_space<semaphore_mem>>, %arg13: memref<!tpu.dma_semaphore, #tpu.memory_space<semaphore_mem>>) attributes {dimension_semantics = [#tpu.dimension_semantics<core_parallel>, #tpu.dimension_semantics<subcore_parallel>], iteration_bounds = array<i64: 2, 16>, scalar_prefetch = 0 : i64, scratch_operands = 8 : i64, tpu.core_type = #tpu.core_type<sc_vector_subcore>, window_params = [{transform_indices = #map}, {transform_indices = #map1}, {transform_indices = #map1}, {transform_indices = #map1}]} {
    %mul3A = arith.constant 2 : i32
    %mul3A_0 = arith.muli %arg1, %mul3A : i32
    %add3A = arith.addi %mul3A_0, %arg0 : i32
    %mul3A_1 = arith.constant 32 : i32
    %mul3A_2 = arith.muli %add3A, %mul3A_1 : i32
    %mul3A_3 = arith.constant 16 : i32
    %mul3A_4 = arith.muli %mul3A_2, %mul3A_3 : i32
    "tpu.region"() ({
      %run_scoped3A = tpu.sem_alloc : memref<!tpu.dma_semaphore, #tpu.memory_space<semaphore_mem>>
      %dma_start3A_46 = tpu.memref_slice %arg3[%mul3A_4] : memref<16384xi32, #tpu.memory_space<hbm>> -> memref<512xi32, #tpu.memory_space<hbm>>
      %dma_start3A_47 = tpu.memref_slice %arg3[%mul3A_4] : memref<16384xi32, #tpu.memory_space<hbm>> -> memref<512xi32, #tpu.memory_space<hbm>>
      tpu.enqueue_dma source(%dma_start3A_47 : memref<512xi32, #tpu.memory_space<hbm>>) target(%arg6 : memref<512xi32, #tpu.memory_space<vmem>>) target_semaphore(%run_scoped3A : memref<!tpu.dma_semaphore, #tpu.memory_space<semaphore_mem>>)
      %dma_wait3A_48 = tpu.memref_slice %arg3[%mul3A_4] : memref<16384xi32, #tpu.memory_space<hbm>> -> memref<512xi32, #tpu.memory_space<hbm>>
      %dma_wait3A_49 = tpu.memref_slice %arg3[%mul3A_4] : memref<16384xi32, #tpu.memory_space<hbm>> -> memref<512xi32, #tpu.memory_space<hbm>>
      tpu.wait_dma2 semaphore(%run_scoped3A : memref<!tpu.dma_semaphore, #tpu.memory_space<semaphore_mem>>) src(%dma_wait3A_49 : memref<512xi32, #tpu.memory_space<hbm>>) dst(%arg6 : memref<512xi32, #tpu.memory_space<vmem>>)
      tpu.yield
    }) : () -> ()
    %iota3A = tpu.iota {dimensions = array<i32: 0>} : vector<16xi32>
    %add3A_5 = arith.constant 0 : i32
    %add3A_6 = arith.addi %mul3A_2, %add3A_5 : i32
    %dma_start3A = arith.constant 0 : i32
    %dma_start3A_7 = tpu.memref_slice %arg2[%add3A_6, %dma_start3A] : memref<16384x1000xf32, #tpu.memory_space<hbm>> -> memref<16x1000xf32, #tpu.memory_space<hbm>>
    %dma_start3A_8 = arith.constant 0 : i32
    %dma_start3A_9 = tpu.memref_slice %arg2[%add3A_6, %dma_start3A_8] : memref<16384x1000xf32, #tpu.memory_space<hbm>> -> memref<16x1000xf32, #tpu.memory_space<hbm>>
    tpu.enqueue_dma source(%dma_start3A_9 : memref<16x1000xf32, #tpu.memory_space<hbm>>) target(%arg7 : memref<16x1000xf32, #tpu.memory_space<vmem>>) target_semaphore(%arg11 : memref<!tpu.dma_semaphore, #tpu.memory_space<semaphore_mem>>)
    %broadcast_in_dim3A = arith.constant 0.000000e+00 : f32
    %broadcast_in_dim3A_10 = vector.broadcast %broadcast_in_dim3A : f32 to vector<16xf32>
    %broadcast_in_dim3A_11 = arith.constant 0.000000e+00 : f32
    %broadcast_in_dim3A_12 = vector.broadcast %broadcast_in_dim3A_11 : f32 to vector<16xf32>
    %add3A_13 = arith.constant 16 : i32
    %add3A_14 = arith.addi %mul3A_2, %add3A_13 : i32
    %dma_start3A_15 = arith.constant 0 : i32
    %dma_start3A_16 = tpu.memref_slice %arg2[%add3A_14, %dma_start3A_15] : memref<16384x1000xf32, #tpu.memory_space<hbm>> -> memref<16x1000xf32, #tpu.memory_space<hbm>>
    %dma_start3A_17 = arith.constant 0 : i32
    %dma_start3A_18 = tpu.memref_slice %arg2[%add3A_14, %dma_start3A_17] : memref<16384x1000xf32, #tpu.memory_space<hbm>> -> memref<16x1000xf32, #tpu.memory_space<hbm>>
    tpu.enqueue_dma source(%dma_start3A_18 : memref<16x1000xf32, #tpu.memory_space<hbm>>) target(%arg8 : memref<16x1000xf32, #tpu.memory_space<vmem>>) target_semaphore(%arg12 : memref<!tpu.dma_semaphore, #tpu.memory_space<semaphore_mem>>)
    %dma_wait3A = arith.constant 0 : i32
    %dma_wait3A_19 = tpu.memref_slice %arg2[%add3A_6, %dma_wait3A] : memref<16384x1000xf32, #tpu.memory_space<hbm>> -> memref<16x1000xf32, #tpu.memory_space<hbm>>
    %dma_wait3A_20 = arith.constant 0 : i32
    %dma_wait3A_21 = tpu.memref_slice %arg2[%add3A_6, %dma_wait3A_20] : memref<16384x1000xf32, #tpu.memory_space<hbm>> -> memref<16x1000xf32, #tpu.memory_space<hbm>>
    tpu.wait_dma2 semaphore(%arg11 : memref<!tpu.dma_semaphore, #tpu.memory_space<semaphore_mem>>) src(%dma_wait3A_21 : memref<16x1000xf32, #tpu.memory_space<hbm>>) dst(%arg7 : memref<16x1000xf32, #tpu.memory_space<vmem>>)
    %scan3A = arith.constant 0 : i32
    %scan3A_22 = arith.constant 16 : i32
    %scan3A_23 = arith.addi %scan3A, %scan3A_22 : i32
    %scan3A_24 = arith.constant 1 : i32
    %scan3A_25 = scf.for %scan3A_46 = %scan3A to %scan3A_23 step %scan3A_24 iter_args(%scan3A_47 = %broadcast_in_dim3A_10) -> (vector<16xf32>)  : i32 {
      %add3A_48 = arith.constant 0 : i32
      %add3A_49 = arith.addi %add3A_48, %scan3A_46 : i32
      %mul3A_50 = arith.constant 16 : i32
      %mul3A_51 = arith.muli %add3A_49, %mul3A_50 : i32
      %get3A = arith.index_cast %mul3A_51 : i32 to index
      %get3A_52 = tpu.vector_load %arg6[%get3A] {strides = array<i32>} : memref<512xi32, #tpu.memory_space<vmem>>, vector<16xi32>,
      %scan3A_53 = arith.constant 0 : i32
      %scan3A_54 = arith.constant 62 : i32
      %scan3A_55 = arith.addi %scan3A_53, %scan3A_54 : i32
      %scan3A_56 = arith.constant 2 : i32
      %scan3A_57:3 = scf.for %scan3A_90 = %scan3A_53 to %scan3A_55 step %scan3A_56 iter_args(%scan3A_91 = %broadcast_in_dim3A_12, %scan3A_92 = %broadcast_in_dim3A_12, %scan3A_93 = %broadcast_in_dim3A_12) -> (vector<16xf32>, vector<16xf32>, vector<16xf32>)  : i32 {
        %mul3A_94 = arith.constant 16 : i32
        %mul3A_95 = arith.muli %scan3A_90, %mul3A_94 : i32
        %get3A_96 = arith.index_cast %scan3A_46 : i32 to index
        %get3A_97 = arith.index_cast %mul3A_95 : i32 to index
        %get3A_98 = tpu.vector_load %arg7[%get3A_96, %get3A_97] {strides = array<i32>} : memref<16x1000xf32, #tpu.memory_space<vmem>>, vector<16xf32>,
        %exp3A_99 = math.exp %get3A_98 : vector<16xf32>
        %add3A_100 = arith.addf %scan3A_91, %exp3A_99 : vector<16xf32>
        %add3A_101 = arith.addf %scan3A_92, %get3A_98 : vector<16xf32>
        %mul3A_102 = arith.constant 16 : i32
        %mul3A_103 = arith.muli %scan3A_90, %mul3A_102 : i32
        %add3A_104 = vector.broadcast %mul3A_103 : i32 to vector<16xi32>
        %add3A_105 = arith.addi %add3A_104, %iota3A : vector<16xi32>
        %eq3A_106 = arith.cmpi eq, %add3A_105, %get3A_52 : vector<16xi32>
        %jit3A_107 = arith.constant 0.000000e+00 : f32
        %broadcast_in_dim3A_108 = vector.broadcast %jit3A_107 : f32 to vector<16xf32>
        %select_n3A_109 = arith.select %eq3A_106, %get3A_98, %broadcast_in_dim3A_108 : vector<16xi1>, vector<16xf32>
        %add3A_110 = arith.addf %scan3A_93, %select_n3A_109 : vector<16xf32>
        %scan3A_111 = arith.constant 1 : i32
        %scan3A_112 = arith.addi %scan3A_90, %scan3A_111 : i32
        %mul3A_113 = arith.constant 16 : i32
        %mul3A_114 = arith.muli %scan3A_112, %mul3A_113 : i32
        %get3A_115 = arith.index_cast %scan3A_46 : i32 to index
        %get3A_116 = arith.index_cast %mul3A_114 : i32 to index
        %get3A_117 = tpu.vector_load %arg7[%get3A_115, %get3A_116] {strides = array<i32>} : memref<16x1000xf32, #tpu.memory_space<vmem>>, vector<16xf32>,
        %exp3A_118 = math.exp %get3A_117 : vector<16xf32>
        %add3A_119 = arith.addf %add3A_100, %exp3A_118 : vector<16xf32>
        %add3A_120 = arith.addf %add3A_101, %get3A_117 : vector<16xf32>
        %mul3A_121 = arith.constant 16 : i32
        %mul3A_122 = arith.muli %scan3A_112, %mul3A_121 : i32
        %add3A_123 = vector.broadcast %mul3A_122 : i32 to vector<16xi32>
        %add3A_124 = arith.addi %add3A_123, %iota3A : vector<16xi32>
        %eq3A_125 = arith.cmpi eq, %add3A_124, %get3A_52 : vector<16xi32>
        %jit3A_126 = arith.constant 0.000000e+00 : f32
        %broadcast_in_dim3A_127 = vector.broadcast %jit3A_126 : f32 to vector<16xf32>
        %select_n3A_128 = arith.select %eq3A_125, %get3A_117, %broadcast_in_dim3A_127 : vector<16xi1>, vector<16xf32>
        %add3A_129 = arith.addf %add3A_110, %select_n3A_128 : vector<16xf32>
        scf.yield %add3A_119, %add3A_120, %add3A_129 : vector<16xf32>, vector<16xf32>, vector<16xf32>
      }
      %scan3A_58 = arith.constant 62 : i32
      %get3A_59 = arith.index_cast %scan3A_46 : i32 to index
      %get3A_60 = arith.constant 984 : index
      %get3A_61 = tpu.vector_load %arg7[%get3A_59, %get3A_60] {strides = array<i32>} : memref<16x1000xf32, #tpu.memory_space<vmem>>, vector<16xf32>,
      %ge3A = arith.constant 8 : i32
      %ge3A_62 = vector.broadcast %ge3A : i32 to vector<16xi32>
      %ge3A_63 = arith.cmpi sge, %iota3A, %ge3A_62 : vector<16xi32>
      %exp3A = math.exp %get3A_61 : vector<16xf32>
      %jit3A = arith.constant 0.000000e+00 : f32
      %broadcast_in_dim3A_64 = vector.broadcast %jit3A : f32 to vector<16xf32>
      %select_n3A = arith.select %ge3A_63, %exp3A, %broadcast_in_dim3A_64 : vector<16xi1>, vector<16xf32>
      %add3A_65 = arith.addf %scan3A_57#0, %select_n3A : vector<16xf32>
      %jit3A_66 = arith.constant 0.000000e+00 : f32
      %broadcast_in_dim3A_67 = vector.broadcast %jit3A_66 : f32 to vector<16xf32>
      %select_n3A_68 = arith.select %ge3A_63, %get3A_61, %broadcast_in_dim3A_67 : vector<16xi1>, vector<16xf32>
      %add3A_69 = arith.addf %scan3A_57#1, %select_n3A_68 : vector<16xf32>
      %add3A_70 = arith.constant 984 : i32
      %add3A_71 = vector.broadcast %add3A_70 : i32 to vector<16xi32>
      %add3A_72 = arith.addi %add3A_71, %iota3A : vector<16xi32>
      %eq3A = arith.cmpi eq, %add3A_72, %get3A_52 : vector<16xi32>
      %and3A = arith.andi %ge3A_63, %eq3A : vector<16xi1>
      %jit3A_73 = arith.constant 0.000000e+00 : f32
      %broadcast_in_dim3A_74 = vector.broadcast %jit3A_73 : f32 to vector<16xf32>
      %select_n3A_75 = arith.select %and3A, %get3A_61, %broadcast_in_dim3A_74 : vector<16xi1>, vector<16xf32>
      %add3A_76 = arith.addf %scan3A_57#2, %select_n3A_75 : vector<16xf32>
      %add3A_77 = arith.constant 0 : i32
      %add3A_78 = arith.addi %add3A_77, %scan3A_46 : i32
      %mul3A_79 = arith.constant 16 : i32
      %mul3A_80 = arith.muli %add3A_78, %mul3A_79 : i32
      %swap3A_81 = arith.index_cast %mul3A_80 : i32 to index
      %swap3A_82 = tpu.vector_load %arg9[%swap3A_81] {strides = array<i32>} : memref<512xf32, #tpu.memory_space<vmem>>, vector<16xf32>,
      tpu.vector_store %arg9[%swap3A_81], %add3A_65 {strides = array<i32>} : memref<512xf32, #tpu.memory_space<vmem>>, vector<16xf32>,
      %mul3A_83 = arith.constant 1.001001E-4 : f32
      %mul3A_84 = vector.broadcast %mul3A_83 : f32 to vector<16xf32>
      %mul3A_85 = arith.mulf %mul3A_84, %add3A_69 : vector<16xf32>
      %sub3A = arith.subf %scan3A_47, %mul3A_85 : vector<16xf32>
      %mul3A_86 = arith.constant 0.899899899 : f32
      %mul3A_87 = vector.broadcast %mul3A_86 : f32 to vector<16xf32>
      %mul3A_88 = arith.mulf %mul3A_87, %add3A_76 : vector<16xf32>
      %sub3A_89 = arith.subf %sub3A, %mul3A_88 : vector<16xf32>
      scf.yield %sub3A_89 : vector<16xf32>
    }
    %scan3A_26 = arith.constant 16 : i32
    %dma_wait3A_27 = arith.constant 0 : i32
    %dma_wait3A_28 = tpu.memref_slice %arg2[%add3A_14, %dma_wait3A_27] : memref<16384x1000xf32, #tpu.memory_space<hbm>> -> memref<16x1000xf32, #tpu.memory_space<hbm>>
    %dma_wait3A_29 = arith.constant 0 : i32
    %dma_wait3A_30 = tpu.memref_slice %arg2[%add3A_14, %dma_wait3A_29] : memref<16384x1000xf32, #tpu.memory_space<hbm>> -> memref<16x1000xf32, #tpu.memory_space<hbm>>
    tpu.wait_dma2 semaphore(%arg12 : memref<!tpu.dma_semaphore, #tpu.memory_space<semaphore_mem>>) src(%dma_wait3A_30 : memref<16x1000xf32, #tpu.memory_space<hbm>>) dst(%arg8 : memref<16x1000xf32, #tpu.memory_space<vmem>>)
    %scan3A_31 = arith.constant 0 : i32
    %scan3A_32 = arith.constant 16 : i32
    %scan3A_33 = arith.addi %scan3A_31, %scan3A_32 : i32
    %scan3A_34 = arith.constant 1 : i32
    %scan3A_35 = scf.for %scan3A_46 = %scan3A_31 to %scan3A_33 step %scan3A_34 iter_args(%scan3A_47 = %scan3A_25) -> (vector<16xf32>)  : i32 {
      %add3A_48 = arith.constant 16 : i32
      %add3A_49 = arith.addi %add3A_48, %scan3A_46 : i32
      %mul3A_50 = arith.constant 16 : i32
      %mul3A_51 = arith.muli %add3A_49, %mul3A_50 : i32
      %get3A = arith.index_cast %mul3A_51 : i32 to index
      %get3A_52 = tpu.vector_load %arg6[%get3A] {strides = array<i32>} : memref<512xi32, #tpu.memory_space<vmem>>, vector<16xi32>,
      %scan3A_53 = arith.constant 0 : i32
      %scan3A_54 = arith.constant 62 : i32
      %scan3A_55 = arith.addi %scan3A_53, %scan3A_54 : i32
      %scan3A_56 = arith.constant 2 : i32
      %scan3A_57:3 = scf.for %scan3A_90 = %scan3A_53 to %scan3A_55 step %scan3A_56 iter_args(%scan3A_91 = %broadcast_in_dim3A_12, %scan3A_92 = %broadcast_in_dim3A_12, %scan3A_93 = %broadcast_in_dim3A_12) -> (vector<16xf32>, vector<16xf32>, vector<16xf32>)  : i32 {
        %mul3A_94 = arith.constant 16 : i32
        %mul3A_95 = arith.muli %scan3A_90, %mul3A_94 : i32
        %get3A_96 = arith.index_cast %scan3A_46 : i32 to index
        %get3A_97 = arith.index_cast %mul3A_95 : i32 to index
        %get3A_98 = tpu.vector_load %arg8[%get3A_96, %get3A_97] {strides = array<i32>} : memref<16x1000xf32, #tpu.memory_space<vmem>>, vector<16xf32>,
        %exp3A_99 = math.exp %get3A_98 : vector<16xf32>
        %add3A_100 = arith.addf %scan3A_91, %exp3A_99 : vector<16xf32>
        %add3A_101 = arith.addf %scan3A_92, %get3A_98 : vector<16xf32>
        %mul3A_102 = arith.constant 16 : i32
        %mul3A_103 = arith.muli %scan3A_90, %mul3A_102 : i32
        %add3A_104 = vector.broadcast %mul3A_103 : i32 to vector<16xi32>
        %add3A_105 = arith.addi %add3A_104, %iota3A : vector<16xi32>
        %eq3A_106 = arith.cmpi eq, %add3A_105, %get3A_52 : vector<16xi32>
        %jit3A_107 = arith.constant 0.000000e+00 : f32
        %broadcast_in_dim3A_108 = vector.broadcast %jit3A_107 : f32 to vector<16xf32>
        %select_n3A_109 = arith.select %eq3A_106, %get3A_98, %broadcast_in_dim3A_108 : vector<16xi1>, vector<16xf32>
        %add3A_110 = arith.addf %scan3A_93, %select_n3A_109 : vector<16xf32>
        %scan3A_111 = arith.constant 1 : i32
        %scan3A_112 = arith.addi %scan3A_90, %scan3A_111 : i32
        %mul3A_113 = arith.constant 16 : i32
        %mul3A_114 = arith.muli %scan3A_112, %mul3A_113 : i32
        %get3A_115 = arith.index_cast %scan3A_46 : i32 to index
        %get3A_116 = arith.index_cast %mul3A_114 : i32 to index
        %get3A_117 = tpu.vector_load %arg8[%get3A_115, %get3A_116] {strides = array<i32>} : memref<16x1000xf32, #tpu.memory_space<vmem>>, vector<16xf32>,
        %exp3A_118 = math.exp %get3A_117 : vector<16xf32>
        %add3A_119 = arith.addf %add3A_100, %exp3A_118 : vector<16xf32>
        %add3A_120 = arith.addf %add3A_101, %get3A_117 : vector<16xf32>
        %mul3A_121 = arith.constant 16 : i32
        %mul3A_122 = arith.muli %scan3A_112, %mul3A_121 : i32
        %add3A_123 = vector.broadcast %mul3A_122 : i32 to vector<16xi32>
        %add3A_124 = arith.addi %add3A_123, %iota3A : vector<16xi32>
        %eq3A_125 = arith.cmpi eq, %add3A_124, %get3A_52 : vector<16xi32>
        %jit3A_126 = arith.constant 0.000000e+00 : f32
        %broadcast_in_dim3A_127 = vector.broadcast %jit3A_126 : f32 to vector<16xf32>
        %select_n3A_128 = arith.select %eq3A_125, %get3A_117, %broadcast_in_dim3A_127 : vector<16xi1>, vector<16xf32>
        %add3A_129 = arith.addf %add3A_110, %select_n3A_128 : vector<16xf32>
        scf.yield %add3A_119, %add3A_120, %add3A_129 : vector<16xf32>, vector<16xf32>, vector<16xf32>
      }
      %scan3A_58 = arith.constant 62 : i32
      %get3A_59 = arith.index_cast %scan3A_46 : i32 to index
      %get3A_60 = arith.constant 984 : index
      %get3A_61 = tpu.vector_load %arg8[%get3A_59, %get3A_60] {strides = array<i32>} : memref<16x1000xf32, #tpu.memory_space<vmem>>, vector<16xf32>,
      %ge3A = arith.constant 8 : i32
      %ge3A_62 = vector.broadcast %ge3A : i32 to vector<16xi32>
      %ge3A_63 = arith.cmpi sge, %iota3A, %ge3A_62 : vector<16xi32>
      %exp3A = math.exp %get3A_61 : vector<16xf32>
      %jit3A = arith.constant 0.000000e+00 : f32
      %broadcast_in_dim3A_64 = vector.broadcast %jit3A : f32 to vector<16xf32>
      %select_n3A = arith.select %ge3A_63, %exp3A, %broadcast_in_dim3A_64 : vector<16xi1>, vector<16xf32>
      %add3A_65 = arith.addf %scan3A_57#0, %select_n3A : vector<16xf32>
      %jit3A_66 = arith.constant 0.000000e+00 : f32
      %broadcast_in_dim3A_67 = vector.broadcast %jit3A_66 : f32 to vector<16xf32>
      %select_n3A_68 = arith.select %ge3A_63, %get3A_61, %broadcast_in_dim3A_67 : vector<16xi1>, vector<16xf32>
      %add3A_69 = arith.addf %scan3A_57#1, %select_n3A_68 : vector<16xf32>
      %add3A_70 = arith.constant 984 : i32
      %add3A_71 = vector.broadcast %add3A_70 : i32 to vector<16xi32>
      %add3A_72 = arith.addi %add3A_71, %iota3A : vector<16xi32>
      %eq3A = arith.cmpi eq, %add3A_72, %get3A_52 : vector<16xi32>
      %and3A = arith.andi %ge3A_63, %eq3A : vector<16xi1>
      %jit3A_73 = arith.constant 0.000000e+00 : f32
      %broadcast_in_dim3A_74 = vector.broadcast %jit3A_73 : f32 to vector<16xf32>
      %select_n3A_75 = arith.select %and3A, %get3A_61, %broadcast_in_dim3A_74 : vector<16xi1>, vector<16xf32>
      %add3A_76 = arith.addf %scan3A_57#2, %select_n3A_75 : vector<16xf32>
      %add3A_77 = arith.constant 16 : i32
      %add3A_78 = arith.addi %add3A_77, %scan3A_46 : i32
      %mul3A_79 = arith.constant 16 : i32
      %mul3A_80 = arith.muli %add3A_78, %mul3A_79 : i32
      %swap3A_81 = arith.index_cast %mul3A_80 : i32 to index
      %swap3A_82 = tpu.vector_load %arg9[%swap3A_81] {strides = array<i32>} : memref<512xf32, #tpu.memory_space<vmem>>, vector<16xf32>,
      tpu.vector_store %arg9[%swap3A_81], %add3A_65 {strides = array<i32>} : memref<512xf32, #tpu.memory_space<vmem>>, vector<16xf32>,
      %mul3A_83 = arith.constant 1.001001E-4 : f32
      %mul3A_84 = vector.broadcast %mul3A_83 : f32 to vector<16xf32>
      %mul3A_85 = arith.mulf %mul3A_84, %add3A_69 : vector<16xf32>
      %sub3A = arith.subf %scan3A_47, %mul3A_85 : vector<16xf32>
      %mul3A_86 = arith.constant 0.899899899 : f32
      %mul3A_87 = vector.broadcast %mul3A_86 : f32 to vector<16xf32>
      %mul3A_88 = arith.mulf %mul3A_87, %add3A_76 : vector<16xf32>
      %sub3A_89 = arith.subf %sub3A, %mul3A_88 : vector<16xf32>
      scf.yield %sub3A_89 : vector<16xf32>
    }
    %scan3A_36 = arith.constant 16 : i32
    %mul3A_37 = arith.constant 16 : i32
    %mul3A_38 = arith.muli %mul3A_2, %mul3A_37 : i32
    "tpu.region"() ({
      %run_scoped3A = tpu.sem_alloc : memref<!tpu.dma_semaphore, #tpu.memory_space<semaphore_mem>>
      %dma_start3A_46 = tpu.memref_slice %arg4[%mul3A_38] : memref<16384xf32, #tpu.memory_space<hbm>> -> memref<512xf32, #tpu.memory_space<hbm>>
      %dma_start3A_47 = tpu.memref_slice %arg4[%mul3A_38] : memref<16384xf32, #tpu.memory_space<hbm>> -> memref<512xf32, #tpu.memory_space<hbm>>
      tpu.enqueue_dma source(%arg9 : memref<512xf32, #tpu.memory_space<vmem>>) target(%dma_start3A_47 : memref<512xf32, #tpu.memory_space<hbm>>) target_semaphore(%run_scoped3A : memref<!tpu.dma_semaphore, #tpu.memory_space<semaphore_mem>>)
      %dma_wait3A_48 = tpu.memref_slice %arg4[%mul3A_38] : memref<16384xf32, #tpu.memory_space<hbm>> -> memref<512xf32, #tpu.memory_space<hbm>>
      %dma_wait3A_49 = tpu.memref_slice %arg4[%mul3A_38] : memref<16384xf32, #tpu.memory_space<hbm>> -> memref<512xf32, #tpu.memory_space<hbm>>
      tpu.wait_dma2 semaphore(%run_scoped3A : memref<!tpu.dma_semaphore, #tpu.memory_space<semaphore_mem>>) src(%arg9 : memref<512xf32, #tpu.memory_space<vmem>>) dst(%dma_wait3A_49 : memref<512xf32, #tpu.memory_space<hbm>>)
      tpu.yield
    }) : () -> ()
    %swap3A = arith.constant 0 : index
    %swap3A_39 = tpu.vector_load %arg10[%swap3A] {strides = array<i32>} : memref<16xf32, #tpu.memory_space<vmem>>, vector<16xf32>,
    tpu.vector_store %arg10[%swap3A], %scan3A_35 {strides = array<i32>} : memref<16xf32, #tpu.memory_space<vmem>>, vector<16xf32>,
    %mul3A_40 = arith.constant 16 : i32
    %mul3A_41 = arith.muli %add3A, %mul3A_40 : i32
    %dma_start3A_42 = tpu.memref_slice %arg5[%mul3A_41] : memref<512xf32, #tpu.memory_space<hbm>> -> memref<16xf32, #tpu.memory_space<hbm>>
    %dma_start3A_43 = tpu.memref_slice %arg5[%mul3A_41] : memref<512xf32, #tpu.memory_space<hbm>> -> memref<16xf32, #tpu.memory_space<hbm>>
    tpu.enqueue_dma source(%arg10 : memref<16xf32, #tpu.memory_space<vmem>>) target(%dma_start3A_43 : memref<16xf32, #tpu.memory_space<hbm>>) target_semaphore(%arg13 : memref<!tpu.dma_semaphore, #tpu.memory_space<semaphore_mem>>)
    %dma_wait3A_44 = tpu.memref_slice %arg5[%mul3A_41] : memref<512xf32, #tpu.memory_space<hbm>> -> memref<16xf32, #tpu.memory_space<hbm>>
    %dma_wait3A_45 = tpu.memref_slice %arg5[%mul3A_41] : memref<512xf32, #tpu.memory_space<hbm>> -> memref<16xf32, #tpu.memory_space<hbm>>
    tpu.wait_dma2 semaphore(%arg13 : memref<!tpu.dma_semaphore, #tpu.memory_space<semaphore_mem>>) src(%arg10 : memref<16xf32, #tpu.memory_space<vmem>>) dst(%dma_wait3A_45 : memref<16xf32, #tpu.memory_space<hbm>>)
    return
  }
}

module attributes {stable_mosaic.version = 14 : i64} {
  func.func @_dense_body(%arg0: i32, %arg1: memref<1024x1000xf32, #tpu.memory_space<vmem>>, %arg2: memref<1x1x1024xi32, #tpu.memory_space<vmem>>, %arg3: memref<1x1xf32, #tpu.memory_space<vmem>>) attributes {dimension_semantics = [#tpu.dimension_semantics<arbitrary>], iteration_bounds = array<i64: 15>, scalar_prefetch = 0 : i64, scratch_operands = 0 : i64, tpu.core_type = #tpu.core_type<tc>, window_params = [{transform_indices = @transform_0, window_bounds = array<i64: 1024, 1000>}, {transform_indices = @transform_1, window_bounds = array<i64: 1, 1, 1024>}, {pipeline_mode = #tpu.pipeline_mode<synchronous>, transform_indices = @transform_2, window_bounds = array<i64: 1, 1>}]} {
    %get3A = arith.constant 0 : index
    %get3A_0 = arith.constant 0 : index
    %get3A_1 = vector.load %arg1[%get3A, %get3A_0] : memref<1024x1000xf32, #tpu.memory_space<vmem>>, vector<1024x1000xf32>
    %get3A_2 = arith.constant 0 : index
    %get3A_3 = arith.constant 0 : index
    %get3A_4 = arith.constant 0 : index
    %get3A_5 = vector.load %arg2[%get3A_2, %get3A_3, %get3A_4] : memref<1x1x1024xi32, #tpu.memory_space<vmem>>, vector<1x1x1024xi32>
    %get3A_6 = vector.shape_cast %get3A_5 : vector<1x1x1024xi32> to vector<1024xi32>
    %reduce_max3A = arith.constant dense<0xFF800000> : vector<1024xf32>
    %reduce_max3A_7 = vector.multi_reduction <maximumf>, %get3A_1, %reduce_max3A [1] : vector<1024x1000xf32> to vector<1024xf32>
    %broadcast_in_dim3A = vector.shape_cast %reduce_max3A_7 : vector<1024xf32> to vector<1024x1xf32>
    %sub3A = vector.broadcast %broadcast_in_dim3A : vector<1024x1xf32> to vector<1024x1000xf32>
    %sub3A_8 = arith.subf %get3A_1, %sub3A : vector<1024x1000xf32>
    %exp3A = math.exp %sub3A_8 : vector<1024x1000xf32>
    %reduce_sum3A = arith.constant dense<0.000000e+00> : vector<1024xf32>
    %reduce_sum3A_9 = vector.multi_reduction <add>, %exp3A, %reduce_sum3A [1] : vector<1024x1000xf32> to vector<1024xf32>
    %log3A = math.log %reduce_sum3A_9 : vector<1024xf32>
    %squeeze3A = vector.shape_cast %broadcast_in_dim3A : vector<1024x1xf32> to vector<1024xf32>
    %add3A = arith.addf %log3A, %squeeze3A : vector<1024xf32>
    %reduce_sum3A_10 = arith.constant dense<0.000000e+00> : vector<1024xf32>
    %reduce_sum3A_11 = vector.multi_reduction <add>, %get3A_1, %reduce_sum3A_10 [1] : vector<1024x1000xf32> to vector<1024xf32>
    %iota3A = tpu.iota {dimensions = array<i32: 1>} : vector<1024x1000xi32>
    %broadcast_in_dim3A_12 = vector.shape_cast %get3A_6 : vector<1024xi32> to vector<1024x1xi32>
    %eq3A = vector.broadcast %broadcast_in_dim3A_12 : vector<1024x1xi32> to vector<1024x1000xi32>
    %eq3A_13 = arith.cmpi eq, %iota3A, %eq3A : vector<1024x1000xi32>
    %jit3A = arith.constant 0.000000e+00 : f32
    %broadcast_in_dim3A_14 = vector.broadcast %jit3A : f32 to vector<1024x1000xf32>
    %select_n3A = arith.select %eq3A_13, %get3A_1, %broadcast_in_dim3A_14 : vector<1024x1000xi1>, vector<1024x1000xf32>
    %reduce_sum3A_15 = arith.constant dense<0.000000e+00> : vector<1024xf32>
    %reduce_sum3A_16 = vector.multi_reduction <add>, %select_n3A, %reduce_sum3A_15 [1] : vector<1024x1000xf32> to vector<1024xf32>
    %mul3A = arith.constant 1.001001E-4 : f32
    %mul3A_17 = vector.broadcast %mul3A : f32 to vector<1024xf32>
    %mul3A_18 = arith.mulf %mul3A_17, %reduce_sum3A_11 : vector<1024xf32>
    %sub3A_19 = arith.subf %add3A, %mul3A_18 : vector<1024xf32>
    %mul3A_20 = arith.constant 0.899899899 : f32
    %mul3A_21 = vector.broadcast %mul3A_20 : f32 to vector<1024xf32>
    %mul3A_22 = arith.mulf %mul3A_21, %reduce_sum3A_16 : vector<1024xf32>
    %sub3A_23 = arith.subf %sub3A_19, %mul3A_22 : vector<1024xf32>
    %reduce_sum3A_24 = vector.shape_cast %sub3A_23 : vector<1024xf32> to vector<1x1024xf32>
    %reduce_sum3A_25 = arith.constant dense<0.000000e+00> : vector<1xf32>
    %reduce_sum3A_26 = vector.multi_reduction <add>, %reduce_sum3A_24, %reduce_sum3A_25 [1] : vector<1x1024xf32> to vector<1xf32>
    %reduce_sum3A_27 = vector.shape_cast %reduce_sum3A_26 : vector<1xf32> to vector<1x1xf32>
    %reduce_sum3A_28 = vector.extract %reduce_sum3A_27[0, 0] : f32 from vector<1x1xf32>
    %mul3A_29 = arith.constant 6.10351563E-5 : f32
    %mul3A_30 = arith.mulf %reduce_sum3A_28, %mul3A_29 : f32
    %eq3A_31 = arith.constant 0 : i32
    %eq3A_32 = arith.cmpi eq, %arg0, %eq3A_31 : i32
    %convert_element_type3A = arith.extui %eq3A_32 : i1 to i32
    %cond3A = arith.constant 0 : i32
    %cond3A_33 = arith.cmpi ne, %convert_element_type3A, %cond3A : i32
    scf.if %cond3A_33 {
      %broadcast_in_dim3A_40 = arith.constant 0.000000e+00 : f32
      %broadcast_in_dim3A_41 = vector.broadcast %broadcast_in_dim3A_40 : f32 to vector<1x1xf32>
      %swap3A_42 = arith.constant 0 : index
      %swap3A_43 = arith.constant 0 : index
      %swap3A_44 = vector.load %arg3[%swap3A_42, %swap3A_43] : memref<1x1xf32, #tpu.memory_space<vmem>>, vector<1x1xf32>
      tpu.vector_store %arg3[%swap3A_42, %swap3A_43], %broadcast_in_dim3A_41 {strides = array<i32>} : memref<1x1xf32, #tpu.memory_space<vmem>>, vector<1x1xf32>,
    } else {
    }
    %get3A_34 = arith.constant 0 : index
    %get3A_35 = arith.constant 0 : index
    %get3A_36 = vector.load %arg3[%get3A_34, %get3A_35] : memref<1x1xf32, #tpu.memory_space<vmem>>, vector<1x1xf32>
    %reshape3A = vector.broadcast %mul3A_30 : f32 to vector<1x1xf32>
    %add3A_37 = arith.addf %get3A_36, %reshape3A : vector<1x1xf32>
    %swap3A = arith.constant 0 : index
    %swap3A_38 = arith.constant 0 : index
    %swap3A_39 = vector.load %arg3[%swap3A, %swap3A_38] : memref<1x1xf32, #tpu.memory_space<vmem>>, vector<1x1xf32>
    tpu.vector_store %arg3[%swap3A, %swap3A_38], %add3A_37 {strides = array<i32>} : memref<1x1xf32, #tpu.memory_space<vmem>>, vector<1x1xf32>,
    return
  }
  func.func @transform_0(%arg0: i32) -> (i32, i32) {
    %add3A = arith.constant 1 : i32
    %add3A_0 = arith.addi %arg0, %add3A : i32
    %c0_i32 = arith.constant 0 : i32
    %c0_i32_1 = arith.constant 0 : i32
    return %add3A_0, %c0_i32 : i32, i32
  }
  func.func @transform_1(%arg0: i32) -> (i32, i32, i32) {
    %add3A = arith.constant 1 : i32
    %add3A_0 = arith.addi %arg0, %add3A : i32
    %c0_i32 = arith.constant 0 : i32
    %c0_i32_1 = arith.constant 0 : i32
    %c0_i32_2 = arith.constant 0 : i32
    return %add3A_0, %c0_i32, %c0_i32_1 : i32, i32, i32
  }
  func.func @transform_2(%arg0: i32) -> (i32, i32) {
    %c0_i32 = arith.constant 0 : i32
    %c0_i32_0 = arith.constant 0 : i32
    %c0_i32_1 = arith.constant 0 : i32
    return %c0_i32, %c0_i32_0 : i32, i32
  }
}

module attributes {stable_mosaic.version = 14 : i64} {
  func.func @_finish_body(%arg0: i32, %arg1: memref<128x128xf32, #tpu.memory_space<vmem>>, %arg2: memref<4x128xf32, #tpu.memory_space<vmem>>, %arg3: memref<1x1xf32, #tpu.memory_space<vmem>>, %arg4: memref<1x1xf32, #tpu.memory_space<vmem>>) attributes {dimension_semantics = [#tpu.dimension_semantics<arbitrary>], iteration_bounds = array<i64: 1>, scalar_prefetch = 0 : i64, scratch_operands = 0 : i64, tpu.core_type = #tpu.core_type<tc>, window_params = [{pipeline_mode = #tpu.pipeline_mode<synchronous>, transform_indices = @transform_0, window_bounds = array<i64: 128, 128>}, {pipeline_mode = #tpu.pipeline_mode<synchronous>, transform_indices = @transform_1, window_bounds = array<i64: 4, 128>}, {pipeline_mode = #tpu.pipeline_mode<synchronous>, transform_indices = @transform_2, window_bounds = array<i64: 1, 1>}, {pipeline_mode = #tpu.pipeline_mode<synchronous>, transform_indices = @transform_3, window_bounds = array<i64: 1, 1>}]} {
    %get3A = arith.constant 0 : index
    %get3A_0 = arith.constant 0 : index
    %get3A_1 = vector.load %arg1[%get3A, %get3A_0] : memref<128x128xf32, #tpu.memory_space<vmem>>, vector<128x128xf32>
    %get3A_2 = arith.constant 0 : index
    %get3A_3 = arith.constant 0 : index
    %get3A_4 = vector.load %arg2[%get3A_2, %get3A_3] : memref<4x128xf32, #tpu.memory_space<vmem>>, vector<4x128xf32>
    %reduce_sum3A = vector.shape_cast %get3A_4 : vector<4x128xf32> to vector<1x4x128xf32>
    %reduce_sum3A_5 = arith.constant dense<0.000000e+00> : vector<1xf32>
    %reduce_sum3A_6 = vector.multi_reduction <add>, %reduce_sum3A, %reduce_sum3A_5 [1, 2] : vector<1x4x128xf32> to vector<1xf32>
    %reduce_sum3A_7 = vector.shape_cast %reduce_sum3A_6 : vector<1xf32> to vector<1x1x1xf32>
    %reduce_sum3A_8 = vector.extract %reduce_sum3A_7[0, 0, 0] : f32 from vector<1x1x1xf32>
    %slice3A = vector.extract_strided_slice %get3A_1 {offsets = [0, 0], sizes = [128, 16], strides = [1, 1]} : vector<128x128xf32> to vector<128x16xf32>
    %reduce_sum3A_9 = arith.constant dense<0.000000e+00> : vector<128xf32>
    %reduce_sum3A_10 = vector.multi_reduction <add>, %slice3A, %reduce_sum3A_9 [1] : vector<128x16xf32> to vector<128xf32>
    %log3A = math.log %reduce_sum3A_10 : vector<128xf32>
    %reduce_sum3A_11 = vector.shape_cast %log3A : vector<128xf32> to vector<1x128xf32>
    %reduce_sum3A_12 = arith.constant dense<0.000000e+00> : vector<1xf32>
    %reduce_sum3A_13 = vector.multi_reduction <add>, %reduce_sum3A_11, %reduce_sum3A_12 [1] : vector<1x128xf32> to vector<1xf32>
    %reduce_sum3A_14 = vector.shape_cast %reduce_sum3A_13 : vector<1xf32> to vector<1x1xf32>
    %reduce_sum3A_15 = vector.extract %reduce_sum3A_14[0, 0] : f32 from vector<1x1xf32>
    %add3A = arith.addf %reduce_sum3A_8, %reduce_sum3A_15 : f32
    %slice3A_16 = vector.extract_strided_slice %get3A_1 {offsets = [0, 16], sizes = [128, 16], strides = [1, 1]} : vector<128x128xf32> to vector<128x16xf32>
    %reduce_sum3A_17 = arith.constant dense<0.000000e+00> : vector<128xf32>
    %reduce_sum3A_18 = vector.multi_reduction <add>, %slice3A_16, %reduce_sum3A_17 [1] : vector<128x16xf32> to vector<128xf32>
    %log3A_19 = math.log %reduce_sum3A_18 : vector<128xf32>
    %reduce_sum3A_20 = vector.shape_cast %log3A_19 : vector<128xf32> to vector<1x128xf32>
    %reduce_sum3A_21 = arith.constant dense<0.000000e+00> : vector<1xf32>
    %reduce_sum3A_22 = vector.multi_reduction <add>, %reduce_sum3A_20, %reduce_sum3A_21 [1] : vector<1x128xf32> to vector<1xf32>
    %reduce_sum3A_23 = vector.shape_cast %reduce_sum3A_22 : vector<1xf32> to vector<1x1xf32>
    %reduce_sum3A_24 = vector.extract %reduce_sum3A_23[0, 0] : f32 from vector<1x1xf32>
    %add3A_25 = arith.addf %add3A, %reduce_sum3A_24 : f32
    %slice3A_26 = vector.extract_strided_slice %get3A_1 {offsets = [0, 32], sizes = [128, 16], strides = [1, 1]} : vector<128x128xf32> to vector<128x16xf32>
    %reduce_sum3A_27 = arith.constant dense<0.000000e+00> : vector<128xf32>
    %reduce_sum3A_28 = vector.multi_reduction <add>, %slice3A_26, %reduce_sum3A_27 [1] : vector<128x16xf32> to vector<128xf32>
    %log3A_29 = math.log %reduce_sum3A_28 : vector<128xf32>
    %reduce_sum3A_30 = vector.shape_cast %log3A_29 : vector<128xf32> to vector<1x128xf32>
    %reduce_sum3A_31 = arith.constant dense<0.000000e+00> : vector<1xf32>
    %reduce_sum3A_32 = vector.multi_reduction <add>, %reduce_sum3A_30, %reduce_sum3A_31 [1] : vector<1x128xf32> to vector<1xf32>
    %reduce_sum3A_33 = vector.shape_cast %reduce_sum3A_32 : vector<1xf32> to vector<1x1xf32>
    %reduce_sum3A_34 = vector.extract %reduce_sum3A_33[0, 0] : f32 from vector<1x1xf32>
    %add3A_35 = arith.addf %add3A_25, %reduce_sum3A_34 : f32
    %slice3A_36 = vector.extract_strided_slice %get3A_1 {offsets = [0, 48], sizes = [128, 16], strides = [1, 1]} : vector<128x128xf32> to vector<128x16xf32>
    %reduce_sum3A_37 = arith.constant dense<0.000000e+00> : vector<128xf32>
    %reduce_sum3A_38 = vector.multi_reduction <add>, %slice3A_36, %reduce_sum3A_37 [1] : vector<128x16xf32> to vector<128xf32>
    %log3A_39 = math.log %reduce_sum3A_38 : vector<128xf32>
    %reduce_sum3A_40 = vector.shape_cast %log3A_39 : vector<128xf32> to vector<1x128xf32>
    %reduce_sum3A_41 = arith.constant dense<0.000000e+00> : vector<1xf32>
    %reduce_sum3A_42 = vector.multi_reduction <add>, %reduce_sum3A_40, %reduce_sum3A_41 [1] : vector<1x128xf32> to vector<1xf32>
    %reduce_sum3A_43 = vector.shape_cast %reduce_sum3A_42 : vector<1xf32> to vector<1x1xf32>
    %reduce_sum3A_44 = vector.extract %reduce_sum3A_43[0, 0] : f32 from vector<1x1xf32>
    %add3A_45 = arith.addf %add3A_35, %reduce_sum3A_44 : f32
    %slice3A_46 = vector.extract_strided_slice %get3A_1 {offsets = [0, 64], sizes = [128, 16], strides = [1, 1]} : vector<128x128xf32> to vector<128x16xf32>
    %reduce_sum3A_47 = arith.constant dense<0.000000e+00> : vector<128xf32>
    %reduce_sum3A_48 = vector.multi_reduction <add>, %slice3A_46, %reduce_sum3A_47 [1] : vector<128x16xf32> to vector<128xf32>
    %log3A_49 = math.log %reduce_sum3A_48 : vector<128xf32>
    %reduce_sum3A_50 = vector.shape_cast %log3A_49 : vector<128xf32> to vector<1x128xf32>
    %reduce_sum3A_51 = arith.constant dense<0.000000e+00> : vector<1xf32>
    %reduce_sum3A_52 = vector.multi_reduction <add>, %reduce_sum3A_50, %reduce_sum3A_51 [1] : vector<1x128xf32> to vector<1xf32>
    %reduce_sum3A_53 = vector.shape_cast %reduce_sum3A_52 : vector<1xf32> to vector<1x1xf32>
    %reduce_sum3A_54 = vector.extract %reduce_sum3A_53[0, 0] : f32 from vector<1x1xf32>
    %add3A_55 = arith.addf %add3A_45, %reduce_sum3A_54 : f32
    %slice3A_56 = vector.extract_strided_slice %get3A_1 {offsets = [0, 80], sizes = [128, 16], strides = [1, 1]} : vector<128x128xf32> to vector<128x16xf32>
    %reduce_sum3A_57 = arith.constant dense<0.000000e+00> : vector<128xf32>
    %reduce_sum3A_58 = vector.multi_reduction <add>, %slice3A_56, %reduce_sum3A_57 [1] : vector<128x16xf32> to vector<128xf32>
    %log3A_59 = math.log %reduce_sum3A_58 : vector<128xf32>
    %reduce_sum3A_60 = vector.shape_cast %log3A_59 : vector<128xf32> to vector<1x128xf32>
    %reduce_sum3A_61 = arith.constant dense<0.000000e+00> : vector<1xf32>
    %reduce_sum3A_62 = vector.multi_reduction <add>, %reduce_sum3A_60, %reduce_sum3A_61 [1] : vector<1x128xf32> to vector<1xf32>
    %reduce_sum3A_63 = vector.shape_cast %reduce_sum3A_62 : vector<1xf32> to vector<1x1xf32>
    %reduce_sum3A_64 = vector.extract %reduce_sum3A_63[0, 0] : f32 from vector<1x1xf32>
    %add3A_65 = arith.addf %add3A_55, %reduce_sum3A_64 : f32
    %slice3A_66 = vector.extract_strided_slice %get3A_1 {offsets = [0, 96], sizes = [128, 16], strides = [1, 1]} : vector<128x128xf32> to vector<128x16xf32>
    %reduce_sum3A_67 = arith.constant dense<0.000000e+00> : vector<128xf32>
    %reduce_sum3A_68 = vector.multi_reduction <add>, %slice3A_66, %reduce_sum3A_67 [1] : vector<128x16xf32> to vector<128xf32>
    %log3A_69 = math.log %reduce_sum3A_68 : vector<128xf32>
    %reduce_sum3A_70 = vector.shape_cast %log3A_69 : vector<128xf32> to vector<1x128xf32>
    %reduce_sum3A_71 = arith.constant dense<0.000000e+00> : vector<1xf32>
    %reduce_sum3A_72 = vector.multi_reduction <add>, %reduce_sum3A_70, %reduce_sum3A_71 [1] : vector<1x128xf32> to vector<1xf32>
    %reduce_sum3A_73 = vector.shape_cast %reduce_sum3A_72 : vector<1xf32> to vector<1x1xf32>
    %reduce_sum3A_74 = vector.extract %reduce_sum3A_73[0, 0] : f32 from vector<1x1xf32>
    %add3A_75 = arith.addf %add3A_65, %reduce_sum3A_74 : f32
    %slice3A_76 = vector.extract_strided_slice %get3A_1 {offsets = [0, 112], sizes = [128, 16], strides = [1, 1]} : vector<128x128xf32> to vector<128x16xf32>
    %reduce_sum3A_77 = arith.constant dense<0.000000e+00> : vector<128xf32>
    %reduce_sum3A_78 = vector.multi_reduction <add>, %slice3A_76, %reduce_sum3A_77 [1] : vector<128x16xf32> to vector<128xf32>
    %log3A_79 = math.log %reduce_sum3A_78 : vector<128xf32>
    %reduce_sum3A_80 = vector.shape_cast %log3A_79 : vector<128xf32> to vector<1x128xf32>
    %reduce_sum3A_81 = arith.constant dense<0.000000e+00> : vector<1xf32>
    %reduce_sum3A_82 = vector.multi_reduction <add>, %reduce_sum3A_80, %reduce_sum3A_81 [1] : vector<1x128xf32> to vector<1xf32>
    %reduce_sum3A_83 = vector.shape_cast %reduce_sum3A_82 : vector<1xf32> to vector<1x1xf32>
    %reduce_sum3A_84 = vector.extract %reduce_sum3A_83[0, 0] : f32 from vector<1x1xf32>
    %add3A_85 = arith.addf %add3A_75, %reduce_sum3A_84 : f32
    %get3A_86 = arith.constant 0 : index
    %get3A_87 = arith.constant 0 : index
    %get3A_88 = vector.load %arg3[%get3A_86, %get3A_87] : memref<1x1xf32, #tpu.memory_space<vmem>>, vector<1x1xf32>
    %mul3A = arith.constant 6.10351563E-5 : f32
    %mul3A_89 = arith.mulf %add3A_85, %mul3A : f32
    %reshape3A = vector.broadcast %mul3A_89 : f32 to vector<1x1xf32>
    %add3A_90 = arith.addf %get3A_88, %reshape3A : vector<1x1xf32>
    %swap3A = arith.constant 0 : index
    %swap3A_91 = arith.constant 0 : index
    %swap3A_92 = vector.load %arg4[%swap3A, %swap3A_91] : memref<1x1xf32, #tpu.memory_space<vmem>>, vector<1x1xf32>
    tpu.vector_store %arg4[%swap3A, %swap3A_91], %add3A_90 {strides = array<i32>} : memref<1x1xf32, #tpu.memory_space<vmem>>, vector<1x1xf32>,
    return
  }
  func.func @transform_0(%arg0: i32) -> (i32, i32) {
    %c0_i32 = arith.constant 0 : i32
    %c0_i32_0 = arith.constant 0 : i32
    %c0_i32_1 = arith.constant 0 : i32
    return %c0_i32, %c0_i32_0 : i32, i32
  }
  func.func @transform_1(%arg0: i32) -> (i32, i32) {
    %c0_i32 = arith.constant 0 : i32
    %c0_i32_0 = arith.constant 0 : i32
    %c0_i32_1 = arith.constant 0 : i32
    return %c0_i32, %c0_i32_0 : i32, i32
  }
  func.func @transform_2(%arg0: i32) -> (i32, i32) {
    %c0_i32 = arith.constant 0 : i32
    %c0_i32_0 = arith.constant 0 : i32
    %c0_i32_1 = arith.constant 0 : i32
    return %c0_i32, %c0_i32_0 : i32, i32
  }
  func.func @transform_3(%arg0: i32) -> (i32, i32) {
    %c0_i32 = arith.constant 0 : i32
    %c0_i32_0 = arith.constant 0 : i32
    %c0_i32_1 = arith.constant 0 : i32
    return %c0_i32, %c0_i32_0 : i32, i32
  }
}

</mosaic_0001>

<sc_bundles>
// kernel: kernel.5.cloned.1.call-start
scs
__scs_entry_jumppad:
0x0: {  	(pc) =	sbr.rel $0x88, $3  }
0x1: {  	(tag) =	ssettag $0x0;
	lr =	simm.s32 $0x1  }
0x2: {  	[smem:$0x3F9F] =	sst lr;
	_ =	strace $0xD0000000  }
0x3: {  	_ = 	snop  }
0x4: {  	_ = 	snop  }
0x5: {  	_ = 	snop  }
0x6: {  	_ = 	snop  }
0x7: {  	_ = 	snop  }
__scs_overlays_trampoline_lowered:
0x8: {  	[smem:$0x3FAE] =	sst s0  }
0x9: {  	[smem:$0x3FAF] =	sst s1  }
0xa: {  	[smem:$0x3FB0] =	sst s2  }
0xb: {  	[smem:$0x3FB1] =	sst s3  }
0xc: {  	[smem:$0x3FB2] =	sst s4  }
0xd: {  	[smem:$0x3FB3] =	sst s5  }
0xe: {  	[smem:$0x3FB4] =	sst s6  }
0xf: {  	[smem:$0x3FB5] =	sst s7  }
0x10: {  	[smem:$0x3FB6] =	sst s8  }
0x11: {  	[smem:$0x3FB7] =	sst s9;
	s0 =	simm.s32 @!p0 $0x0  }
0x12: {  	s1 =	sld [smem:$0x3F9D];
	s0 =	simm.s32 @p0 $0x1  }
0x13: {  	[smem:$0x3FB8] =	sst s0;
	s0 =	simm.s32 @!p1 $0x0  }
0x14: {  	s2 =	sld [smem:$0x3F9C];
	s0 =	simm.s32 @p1 $0x1  }
0x15: {  	[smem:$0x3FB9] =	sst s0;
	s0 =	simm.s32 @!p2 $0x0  }
0x16: {  	s3 =	sld [smem:$0x3FDB];
	s0 =	simm.s32 @p2 $0x1  }
0x17: {  	s4 =	simm.s32 $0x1BF5;
	[smem:$0x3FBB] =	sst s0  }
0x18: {  	s0 =	sld [smem:$0x3F9E];
	_ =	swait.ge [sflag:s4], $0x0  }
0x19: {  	s7 =	sld [smem:$0x3F9F]  }
0x1a: {  	s8 =	sadd.s32 $0xFFFFE003, lr  }
0x1b: {  	s9 =	sadd.s32 $0xFFFFFEF7, lr;
	s5 =	simm.s32 $0xFFFFFFFF;
	p2 =	slt.u32 s8, $0xFFFFF086  }
0x1c: {  	p1 =	slt.u32 s9, $0xF7A;
	s5 =	simm.s32 @!p2 $0x0  }
0x1d: {  	s5 =	simm.s32 @p1 $0x1;
	p0 =	seq.s32 s7, s2  }
0x1e: {  	s7 =	smul.u32 @!p0 $0xF7A, s2;
	p2 =	seq.s32 @!p0 s5, $0x0  }
0x1f: {  	s9 =	smul.u32 $0xF7A, s1;
	s8 =	simm.s32 @!p0 $0x1BF5;
	p2 =	por !p2, p0  }
0x20: {  	[sflag:s8] =	ssyncset.s32 @!p0 $0xFFFFF086;
	s6 =	sadd.s32 @!p0 s3, s7;
	s7 =	simm.s32 @!p0 $0x108  }
0x21: {  	s3 =	sadd.s32 s3, s9;
	s6 =	sadd.s32 @!p0 $0x88, s6;
	s7 =	simm.s32 @p2 $0x1082  }
0x22: {  	[simem:s7], [sflag:s8] =	dma.local @!p0 [hbm:s6], $0xF7A  }
0x23: {  	s9 =	sor.u32 $0xD0000000, s2;
	s6 =	simm.s32 $0x108;
	_ =	swait.ge @!p0 [sflag:s8], $0x0  }
0x24: {  	s3 =	sadd.s32 $0x88, s3;
	s6 =	simm.s32 @!p1 $0x1082;
	[sflag:s4] =	ssyncset.s32 $0xFFFFF086  }
0x25: {  	[simem:s6], [sflag:s4] =	dma.local [hbm:s3], $0xF7A  }
0x26: {  	[smem:$0x3F9F] =	sst s1;
	(tag) =	ssettag s2;
	_ =	strace s9  }
0x27: {  	s1 =	sld [smem:$0x3FAF]  }
0x28: {  	s2 =	sld [smem:$0x3FB0]  }
0x29: {  	s4 =	sld [smem:$0x3FB2]  }
0x2a: {  	p0 =	seq.s32 s5, $0x0;
	s5 =	sld [smem:$0x3FB3]  }
0x2b: {  	s6 =	sld [smem:$0x3FB4]  }
0x2c: {  	s7 =	sld [smem:$0x3FB5]  }
0x2d: {  	s3 =	simm.s32 $0x108;
	s8 =	sld [smem:$0x3FB6]  }
0x2e: {  	s3 =	simm.s32 @!p0 $0x1082;
	s9 =	sld [smem:$0x3FB7]  }
0x2f: {  	lr =	sadd.s32 s0, s3;
	s0 =	sld [smem:$0x3FAE]  }
0x30: {  	s3 =	sld [smem:$0x3FB1]  }
0x31: {  	[smem:$0x3FBA] =	sst s10  }
0x32: {  	s10 =	sld [smem:$0x3FB8];
	_ =	sdelay $0x3  }
0x33: {  	p0 =	seq.s32 s10, $0x1;
	s10 =	sld [smem:$0x3FBA];
	_ =	sdelay $0x3  }
0x34: {  	[smem:$0x3FBA] =	sst s10  }
0x35: {  	s10 =	sld [smem:$0x3FB9];
	_ =	sdelay $0x3  }
0x36: {  	p1 =	seq.s32 s10, $0x1;
	s10 =	sld [smem:$0x3FBA];
	_ =	sdelay $0x3  }
0x37: {  	[smem:$0x3FBA] =	sst s10  }
0x38: {  	s10 =	sld [smem:$0x3FBB]  }
0x39: {  	_ = 	snop;
	(pc) =	sbr.ind lr, $3  }
0x3a: {  	_ = 	snop  }
0x3b: {  	_ = 	snop  }
0x3c: {  	p2 =	seq.s32 s10, $0x1;
	s10 =	sld [smem:$0x3FBA]  }
0x3d: {  	_ =	shalt  }
0x3e: {  	_ =	shalt  }
0x3f: {  	_ =	shalt  }
0x40: {  	_ =	shalt  }
0x41: {  	_ =	shalt  }
0x42: {  	_ =	shalt  }
0x43: {  	_ =	shalt  }
0x44: {  	_ =	shalt  }
0x45: {  	_ =	shalt  }
0x46: {  	_ =	shalt  }
0x47: {  	_ =	shalt  }
0x48: {  	_ =	shalt  }
0x49: {  	_ =	shalt  }
0x4a: {  	_ =	shalt  }
0x4b: {  	_ =	shalt  }
0x4c: {  	_ =	shalt  }
0x4d: {  	_ =	shalt  }
0x4e: {  	_ =	shalt  }
0x4f: {  	_ =	shalt  }
0x50: {  	_ =	shalt  }
0x51: {  	_ =	shalt  }
0x52: {  	_ =	shalt  }
0x53: {  	_ =	shalt  }
0x54: {  	_ =	shalt  }
0x55: {  	_ =	shalt  }
0x56: {  	_ =	shalt  }
0x57: {  	_ =	shalt  }
0x58: {  	_ =	shalt  }
0x59: {  	_ =	shalt  }
0x5a: {  	_ =	shalt  }
0x5b: {  	_ =	shalt  }
0x5c: {  	_ =	shalt  }
0x5d: {  	_ =	shalt  }
0x5e: {  	_ =	shalt  }
0x5f: {  	_ =	shalt  }
0x60: {  	_ =	shalt  }
0x61: {  	_ =	shalt  }
0x62: {  	_ =	shalt  }
0x63: {  	_ =	shalt  }
0x64: {  	_ =	shalt  }
0x65: {  	_ =	shalt  }
0x66: {  	_ =	shalt  }
0x67: {  	_ =	shalt  }
0x68: {  	_ =	shalt  }
0x69: {  	_ =	shalt  }
0x6a: {  	_ =	shalt  }
0x6b: {  	_ =	shalt  }
0x6c: {  	_ =	shalt  }
0x6d: {  	_ =	shalt  }
0x6e: {  	_ =	shalt  }
0x6f: {  	_ =	shalt  }
0x70: {  	_ =	shalt  }
0x71: {  	_ =	shalt  }
0x72: {  	_ =	shalt  }
0x73: {  	_ =	shalt  }
0x74: {  	_ =	shalt  }
0x75: {  	_ =	shalt  }
0x76: {  	_ =	shalt  }
0x77: {  	_ =	shalt  }
0x78: {  	_ =	shalt  }
0x79: {  	_ =	shalt  }
0x7a: {  	_ =	shalt  }
0x7b: {  	_ =	shalt  }
0x7c: {  	_ =	shalt  }
0x7d: {  	_ =	shalt  }
0x7e: {  	_ =	shalt  }
0x7f: {  	_ =	shalt  }
0x80: {  	_ =	shalt  }
0x81: {  	_ =	shalt  }
0x82: {  	_ =	shalt  }
0x83: {  	_ =	shalt  }
0x84: {  	_ =	shalt  }
0x85: {  	_ =	shalt  }
0x86: {  	_ =	shalt  }
0x87: {  	_ =	shalt  }
.Lfunc_end0:
.L_simem_size_0:
called_computation_lowered:
.L_overlay_start_0:
0x88: {  	s2 =	sld [smem:$0x3FD9]  }
0x89: {  	s3 =	sld [smem:$0x3FFE];
	_ =	sdelay $0x1  }
0x8a: {  	s1 =	srdreg.scid  }
0x8b: {  	s0 =	sand.u32 $0x1, s1  }
0x8c: {  	s16 =	sshll.u32 s0, $0xA;
	s2 =	sadd.s32 s3, s2  }
0x8d: {  	s2 =	sadd.s32 s2, s16  }
0x8e: {  	[smem:$0x3FC6] =	sst s2  }
0x8f: {  	_ = 	snop  }
0x90: {  	(tm) =	ssettm $0x1  }
0x91: {  	s17 =	sld [smem:$0x3FFB];
	_ =	sdelay $0x3  }
0x92: {  	_ =	strace s17  }
0x93: {  	s2 =	sld [smem:$0x3FFC];
	_ =	sdelay $0x3  }
0x94: {  	_ =	strace s2  }
0x95: {  	s2 =	sld [smem:$0x3FFD];
	_ =	sdelay $0x3  }
0x96: {  	_ =	strace s2  }
0x97: {  	_ =	strace $0x8FFFFFFF  }
0x98: {  	s18 =	sld [smem:$0x3FDB];
	_ =	sdelay $0x1  }
0x99: {  	s19 =	simm.s32 $_scs_section_size  }
0x9a: {  	s4 =	simm.s32 $_size__tile_overlayer_lowered;
	s5 =	simm.s32 $_tile_overlayer_lowered  }
0x9b: {  	s22 =	simm.s32 $0x1BFF;
	s21 =	sshll.u32 s5, $0x1;
	s2 =	sadd.s32 s19, s18  }
0x9c: {  	s6 =	simm.s32 $0x0;
	s20 =	sshll.u32 s4, $0x1;
	s4 =	sadd.s32 s21, s2  }
0x9d: {  	[timem:s6], [sflag:s22] =	dma.local [hbm:s4], s20  }
0x9e: {  	_ =	swait.ge [sflag:s22], s20  }
0x9f: {  	s3 =	ssub.s32 $0x0, s20;
	[sflag:s22] =	ssyncset.done $0x0  }
0xa0: {  	[sflag:s22] =	ssyncadd.s32 s3;
	_ =	sdelay $0x1  }
0xa1: {  	s23 =	simm.s32 $0x1B8B  }
0xa2: {  	_ =	swait.ge [sflag:s23], $0x1  }
0xa3: {  	[sflag:s23] =	ssyncset.done $0x0  }
0xa4: {  	s25 =	simm.s32 $0x1B8E;
	s24 =	sld [smem:$0x3FFE];
	[sflag:s23] =	ssyncadd.s32 $0xFFFFFFFF  }
0xa5: {  	s26 =	simm.s32 $execute0_lowered;
	[smem:$0x3FD2] =	sst s25  }
0xa6: {  	s4 =	sshll.u32 s26, $0x1;
	_ =	strace $0x80000046;
	[dreg:$0x1] =	wrdreg $0xFFFFFFFF  }
0xa7: {  	s28 =	simm.s32 $_size_execute0_lowered;
	s2 =	sadd.s32 s2, s4;
	[dreg:$0x0] =	wrdreg $0x0  }
0xa8: {  	s4 =	sshll.u32 s28, $0x1;
	[dreg:$0x2] =	wrdreg s2  }
0xa9: {  	[dreg:$0x3] =	wrdreg s4  }
0xaa: {  	[dreg:$0x4] =	wrdreg $0xC0  }
0xab: {  	_ =	task [dreg:s6], $0x5FFFF  }
0xac: {  	[dreg:$0x1] =	wrdreg $0xFFFFFFFF  }
0xad: {  	[dreg:$0x0] =	wrdreg $0x60  }
0xae: {  	[dreg:$0x2] =	wrdreg s24  }
0xaf: {  	[dreg:$0x3] =	wrdreg $0x9  }
0xb0: {  	_ =	task.clear_ibuf [dreg:s6], $0x4FFFF;
	_ =	strace $0x90000046  }
0xb1: {  	s29 =	simm.s32 $0x9;
	_ =	strace $0x80000048  }
0xb2: {  	_ =	swait.ge [sflag:s29], $0x1  }
0xb3: {  	[sflag:s29] =	ssyncadd.s32 $0xFFFFFFFF  }
0xb4: {  	_ =	strace $0x90000048  }
0xb5: {  	_ =	sfence  }
0xb6: {  	s30 =	sld [smem:$0x0];
	_ =	sdelay $0x2  }
0xb7: {  	s31 =	sshll.u32 s1, $0xD;
	s1 =	sshrl.u32 s1, $0x2  }
0xb8: {  	s3 =	sand.u32 $0x4000, s31;
	s1 =	sadd.s32 s1, s30  }
0xb9: {  	s0 =	sor.u32 s3, s0;
	s1 =	sshll.u32 s1, $0x11  }
0xba: {  	s0 =	sor.u32 s1, s0  }
0xbb: {  	s0 =	sadd.s32 $0x8F2B, s0  }
0xbc: {  	[sflag:s0] =	ssyncadd.remote.s32 $0x1  }
0xbd: {  	_ =	sfence.sel $0xFFFF  }
0xbe: {  	[dreg:$0x0] =	wrdreg $0xFFFFFFFF;
	(pc) =	sbr.abs _section_cstart, $3  }
0xbf: {  	[dreg:$0x1] =	wrdreg $0xFFFFFFFF  }
0xc0: {  	_ =	task.clear_ibuf [dreg:s6], $0x2FFFF;
	_ =	strace $0x9FFFFFFF  }
0xc1: {  	(tm) =	ssettm $0x7FFFFFFF  }
tec
execute0_lowered:
.L_overlay_start_1:
0x0: {  	(tag) =	ssettag $0x1  }
0x1: {  	s1 =	srdreg.scid  }
0x2: {  	s0 =	stileid.u32;
	s3 =	rddreg [dreg:$0x0]  }
0x3: {  	s2 =	simm.s32 $0x0;
	s10 =	simm.s32 $0x200;
	s11 =	simm.s32 $0x4200  }
0x4: {  	s12 =	simm.s32 $0x1;
	s13 =	simm.s32 $0x2;
	s14 =	simm.s32 $0x8200  }
0x5: {  	s15 =	simm.s32 $0x8400;
	s16 =	simm.s32 $0x3;
	s17 =	simm.s32 $0x0  }
0x6: {  	s4 =	sand.u32 $0x1, s1;
	s5 =	sshll.u32 s0, $0x1;
	[smem:$0x7FF] =	sst s2  }
0x7: {  	s5 =	sor.u32 s4, s5;
	_ =	strace $0x80000047;
	s4 =	ssub.s32 $0x2, s4  }
0x8: {  	s6 =	sshll.u32 s5, $0xC;
	s7 =	sshll.u32 s5, $0x6;
	s5 =	sshll.u32 s5, $0x1  }
0x9: {  	s8 =	sshrl.u32 s4, $0x1;
	s6 =	sadd.s32 s6, s3;
	s7 =	sadd.s32 s7, s3  }
0xa: {  	s9 =	sadd.s32 s5, s3;
	s8 =	ssub.s32 s4, s8;
	s3 =	sadd.s32 $0xE00, s7  }
0xb: {  	v0 =	vlaneseq.u32;
	s4 =	sadd.s32 $0x1600, s6;
	s5 =	sadd.s32 $0x1E00, s6;
	s6 =	sadd.s32 $0x201600, s7  }
0xc: {  	vm0 =	vmmov $0xff;
	vm1 =	vcmask $0x3F20;
	v1 =	vadd.s32 $0x3D8, v0;
	s7 =	sadd.s32 $0x201E00, s9;
	s8 =	smax.u32 s8, $0x1;
	s9 =	simm.s32 $0x4  }
.LBB2_1:
0xd: {  	[tilespmem:s2], [sflag:$0x4] =	stream.linear.gather [hbm4b:s3+s2], $0x200, $0x38;
	[tilespmem:$0x8480] =	vst v63  }
0xe: {  	_ =	swait.ge [sflag:s9], $0x200  }
0xf: {  	[sflag:s9] =	ssyncset.done $0x0  }
0x10: {  	[sflag:s9] =	ssyncadd.s32 $0xFFFFFE00  }
0x11: {  	[tilespmem:s10], [sflag:$0x1] =	stream.linear.gather [hbm4b:s4+s2], $0x4000, $0x38;
	[tilespmem:$0x8480] =	vst v63  }
0x12: {  	_ = 	snop  }
0x13: {  	[tilespmem:s11], [sflag:$0x2] =	stream.linear.gather [hbm4b:s5+s2], $0x4000, $0x38;
	[tilespmem:$0x8480] =	vst v63  }
0x14: {  	_ =	swait.ge [sflag:s12], $0x4000  }
0x15: {  	[sflag:s12] =	ssyncset.done $0x0  }
0x16: {  	v3 =	vimm.f32 $0.0e+00;
	v2 =	vimm.f32 $0.0e+00;
	s18 =	simm.s32 $0x0;
	[sflag:s12] =	ssyncadd.s32 $0xFFFFC000  }
.LBB2_2:
0x17: {  	s20 =	sshll.u32 s18, $0x7  }
0x18: {  	s19 =	sand.u32 $0x380, s20  }
0x19: {  	s21 =	sshll.u32 s18, $0xA;
	v5 =	vmov s19  }
0x1a: {  	s23 =	simm.s32 $0x0;
	s24 =	simm.s32 $0x0;
	s26 =	sand.u32 $0x2000, s21  }
0x1b: {  	s29 =	sand.u32 $0x1C00, s23;
	s30 =	sand.u32 $0x60, s24;
	s22 =	sor.u32 $0x200, s26  }
0x1c: {  	s26 =	simm.s32 $0x10;
	s19 =	sshll.u32 s18, $0x4;
	s25 =	sadd.s32 s29, s22  }
0x1d: {  	s28 =	sand.u32 $0x70, s26;
	v4 =	vld [tilespmem:s19+$0x0];
	s23 =	sadd.s32 s30, s25  }
0x1e: {  	s31 =	sadd.s32 s28, s25;
	v6 =	vld.idx.msk [tilespmem:v5+s23+$0x0 ss:$0x1], $0xffff  }
0x1f: {  	v7 =	vld.idx.msk [tilespmem:v5+s31+$0x0 ss:$0x1], $0xffff  }
0x20: {  	s0 =	simm.s32 $0x100  }
0x21: {  	s25 =	simm.s32 $0x20;
	s23 =	sand.u32 $0x1C00, s0  }
0x22: {  	v8 =	vor.u32 s24, v0;
	s28 =	sand.u32 $0x60, s25;
	s23 =	sadd.s32 s23, s22  }
0x23: {  	s29 =	simm.s32 $0x30;
	s30 =	simm.s32 $0x200;
	vm2 =	veq.s32 v8, v4;
	v8 =	vor.u32 s26, v0;
	s1 =	sadd.s32 s28, s23;
	v9 =	vmul.f32 $1.442695020e+00, v6  }
0x24: {  	s24 =	sand.u32 $0x1C00, s30;
	s31 =	simm.s32 $0x40;
	s28 =	sand.u32 $0x70, s29;
	v10 =	vld.idx.msk [tilespmem:v5+s1+$0x0 ss:$0x1], $0xffff;
	v11 =	vnsel vm2, $0x0, v6;
	v12 =	vmul.f32 $1.442695020e+00, v7;
	vm2 =	veq.s32 v8, v4  }
0x25: {  	s24 =	sadd.s32 s24, s22;
	s23 =	sadd.s32 s28, s23;
	s28 =	sand.u32 $0x60, s31;
	v6 =	vadd.f32 v6, v3;
	v8 =	vadd.f32 v11, v3;
	(erf) = vpow2.f32 v9  }
0x26: {  	v13 =	vor.u32 s25, v0;
	s28 =	sadd.s32 s28, s24;
	v11 =	vnsel vm2, $0x0, v7;
	v9 =	vld.idx.msk [tilespmem:v5+s23+$0x0 ss:$0x1], $0xffff  }
0x27: {  	s0 =	simm.s32 $0x50;
	v6 =	vadd.f32 v7, v6;
	(erf) = vpow2.f32 v12;
	v7 =	vadd.f32 v11, v8;
	v11 =	vld.idx.msk [tilespmem:v5+s28+$0x0 ss:$0x1], $0xffff  }
0x28: {  	s1 =	sand.u32 $0x70, s0;
	vm2 =	veq.s32 v13, v4  }
0x29: {  	s24 =	sadd.s32 s1, s24;
	v8 =	vor.u32 s29, v0;
	v12 =	vmul.f32 $1.442695020e+00, v10;
	v13 =	vnsel vm2, $0x0, v10  }
0x2a: {  	vm2 =	veq.s32 v8, v4;
	v8 =	vld.idx.msk [tilespmem:v5+s24+$0x0 ss:$0x1], $0xffff;
	v6 =	vadd.f32 v10, v6;
	v7 =	vadd.f32 v13, v7  }
0x2b: {  	s30 =	simm.s32 $0x300;
	(erf) = vpow2.f32 v12;
	v12 =	vor.u32 s31, v0;
	v10 =	vmul.f32 $1.442695020e+00, v9  }
0x2c: {  	s25 =	sand.u32 $0x1C00, s30;
	s24 =	simm.s32 $0x60;
	v13 =	vnsel vm2, $0x0, v9;
	v14 =	vadd.f32 v9, v6;
	v16 =	vmul.f32 $1.442695020e+00, v11  }
0x2d: {  	s25 =	sadd.s32 s25, s22;
	s23 =	simm.s32 $0x70;
	s28 =	sand.u32 $0x60, s24;
	vm2 =	veq.s32 v12, v4;
	v6 =	vor.u32 s0, v0;
	(erf) = vpow2.f32 v10  }
0x2e: {  	s31 =	sand.u32 $0x70, s23;
	s28 =	sadd.s32 s28, s25;
	v15 =	vadd.f32 v13, v7;
	v17 =	vnsel vm2, $0x0, v11;
	v12 =	vpop (erf);
	(erf) = vpow2.f32 v16  }
0x2f: {  	s26 =	sadd.s32 s31, s25;
	vm2 =	veq.s32 v6, v4;
	v7 =	vld.idx.msk [tilespmem:v5+s28+$0x0 ss:$0x1], $0xffff;
	v10 =	vmul.f32 $1.442695020e+00, v8;
	v13 =	vadd.f32 v12, v3  }
0x30: {  	s25 =	simm.s32 $0x6;
	v6 =	vld.idx.msk [tilespmem:v5+s26+$0x0 ss:$0x1], $0xffff;
	s26 =	simm.s32 $0x400;
	s28 =	simm.s32 $0x90;
	v9 =	vnsel vm2, $0x0, v8;
	v12 =	vadd.f32 v11, v14;
	v11 =	vadd.f32 v17, v15;
	v14 =	vpop (erf)  }
.LBB2_3:
0x31: {  	s29 =	sadd.s32 $0xFFFFFFF0, s28;
	s25 =	sadd.s32 $0x2, s25  }
0x32: {  	s30 =	sand.u32 $0x1C00, s26;
	s31 =	sand.u32 $0x70, s28;
	v13 =	vadd.f32 v14, v13;
	p0 =	slt.u32 s25, $0x3C  }
.Ltmp0:
0x33: {  	v15 =	vor.u32 s24, v0;
	s1 =	sand.u32 $0x60, s29;
	s30 =	sadd.s32 s30, s22;
	v12 =	vadd.f32 v8, v12;
	v11 =	vadd.f32 v9, v11;
	(pc) =	sbr.rel @p0 .LBB2_3-.Ltmp0, $4  }
0x34: {  	v18 =	vor.u32 s23, v0;
	vm2 =	veq.s32 v15, v4;
	s1 =	sadd.s32 s1, s30;
	s30 =	sadd.s32 s31, s30;
	(erf) = vpow2.f32 v10;
	v14 =	vpop (erf)  }
0x35: {  	s23 =	smov.u32 s28;
	s24 =	smov.u32 s29;
	v15 =	vmul.f32 $1.442695020e+00, v7;
	v16 =	vnsel vm2, $0x0, v7;
	vm2 =	veq.s32 v18, v4;
	v17 =	vmovc v7;
	v7 =	vld.idx.msk [tilespmem:v5+s1+$0x0 ss:$0x1], $0xffff  }
0x36: {  	v10 =	vmul.f32 $1.442695020e+00, v6;
	v9 =	vnsel vm2, $0x0, v6;
	v13 =	vadd.f32 v14, v13;
	v8 =	vmovc v6;
	v6 =	vld.idx.msk [tilespmem:v5+s30+$0x0 ss:$0x1], $0xffff  }
0x37: {  	s26 =	sadd.s32 $0x100, s26;
	s28 =	sadd.s32 $0x20, s28;
	v12 =	vadd.f32 v17, v12;
	v11 =	vadd.f32 v16, v11;
	(erf) = vpow2.f32 v15;
	v14 =	vpop (erf)  }
0x38: {  	s1 =	sor.u32 s21, s20  }
0x39: {  	s1 =	sor.u32 $0x1C58, s1  }
0x3a: {  	v5 =	vld [tilespmem:s1+$0x200];
	_ =	sdelay $0x1  }
0x3b: {  	(erf) = vpow2.f32 v10;
	v46 =	vmul.f32 $1.442695020e+00, v7;
	_ =	sdelay $0x1  }
0x3c: {  	v13 =	vadd.f32 v14, v13;
	v47 =	vmul.f32 $1.442695020e+00, v6;
	(erf) = vpow2.f32 v46  }
0x3d: {  	v48 =	vpop (erf);
	v15 =	vmul.f32 $1.442695020e+00, v5  }
0x3e: {  	v10 =	vadd.f32 v48, v13;
	(erf) = vpow2.f32 v47  }
0x3f: {  	v49 =	vpop (erf);
	(erf) = vpow2.f32 v15  }
0x40: {  	v50 =	vor.u32 s24, v0;
	v8 =	vadd.f32 v8, v12;
	v10 =	vadd.f32 v49, v10  }
0x41: {  	v52 =	vor.u32 s23, v0;
	v9 =	vadd.f32 v9, v11;
	vm2 =	veq.s32 v50, v4;
	v51 =	vpop (erf)  }
0x42: {  	v53 =	vnsel vm2, $0x0, v7;
	v54 =	vadd.f32 v7, v8;
	v55 =	vadd.f32 v51, v10  }
0x43: {  	vm2 =	veq.s32 v52, v4;
	v9 =	vadd.f32 v53, v9;
	v56 =	vpop (erf)  }
0x44: {  	v11 =	vnsel vm2, $0x0, v6;
	v57 =	vadd.f32 v6, v54;
	v58 =	vadd.f32 v56, v55  }
0x45: {  	vm2 =	veq.s32 v4, v1;
	v59 =	vadd.f32 v11, v9;
	v61 =	vsel vm0, $0x0, v5;
	v60 =	vpop (erf)  }
0x46: {  	s18 =	sadd.s32 $0x1, s18;
	vm2 =	vmand vm2, vm1;
	v6 =	vadd.f32 v61, v57;
	v4 =	vadd.f32 v60, v58  }
0x47: {  	p0 =	sne.s32 s18, $0x10;
	v5 =	vnsel vm2, $0x0, v5;
	v62 =	vpop (erf)  }
.Ltmp1:
0x48: {  	v5 =	vadd.f32 v5, v59;
	v6 =	vmul.f32 $-1.001001000e-04, v6;
	v4 =	vadd.f32 v62, v4;
	v63 =	vpop (erf);
	(pc) =	sbr.rel @p0 .LBB2_2-.Ltmp1, $3  }
0x49: {  	v7 =	vsel vm0, $0x0, v63  }
0x4a: {  	v5 =	vmul.f32 $-8.998998990e-01, v5;
	v2 =	vadd.f32 v6, v2;
	v4 =	vadd.f32 v7, v4;
	_ =	sdelay $0x1  }
0x4b: {  	v2 =	vadd.f32 v5, v2;
	[tilespmem:s19+$0x8200] =	vst v4  }
0x4c: {  	_ =	swait.ge [sflag:s13], $0x4000  }
0x4d: {  	[sflag:s13] =	ssyncset.done $0x0  }
0x4e: {  	s18 =	simm.s32 $0x0;
	s19 =	simm.s32 $0x0;
	[sflag:s13] =	ssyncadd.s32 $0xFFFFC000  }
.LBB2_6:
0x4f: {  	s20 =	sshll.u32 s19, $0x7  }
0x50: {  	s1 =	sand.u32 $0x380, s20  }
0x51: {  	s21 =	sshll.u32 s19, $0xA;
	v4 =	vmov s1  }
0x52: {  	s31 =	sand.u32 $0x2000, s21  }
0x53: {  	s0 =	simm.s32 $0x0;
	s23 =	sand.u32 $0x1C00, s18;
	s22 =	sor.u32 $0x4200, s31  }
0x54: {  	s24 =	sand.u32 $0x60, s0;
	s25 =	sadd.s32 s23, s22  }
0x55: {  	s26 =	simm.s32 $0x10;
	s24 =	sadd.s32 s24, s25  }
0x56: {  	s28 =	sand.u32 $0x70, s26;
	s23 =	sshll.u32 s19, $0x4;
	v5 =	vld.idx.msk [tilespmem:v4+s24+$0x0 ss:$0x1], $0xffff  }
0x57: {  	v3 =	vld [tilespmem:s23+$0x100];
	s25 =	sadd.s32 s28, s25  }
0x58: {  	s30 =	simm.s32 $0x100;
	v6 =	vld.idx.msk [tilespmem:v4+s25+$0x0 ss:$0x1], $0xffff  }
0x59: {  	s31 =	simm.s32 $0x20;
	s24 =	sand.u32 $0x1C00, s30  }
0x5a: {  	s29 =	simm.s32 $0x30;
	s28 =	sand.u32 $0x60, s31;
	s24 =	sadd.s32 s24, s22  }
0x5b: {  	v7 =	vor.u32 s0, v0;
	s0 =	sadd.s32 s28, s24;
	s28 =	sand.u32 $0x70, s29;
	v8 =	vmul.f32 $1.442695020e+00, v5  }
0x5c: {  	v10 =	vimm.f32 $0.0e+00;
	vm2 =	veq.s32 v7, v3;
	v7 =	vor.u32 s26, v0;
	s26 =	simm.s32 $0x200;
	v9 =	vld.idx.msk [tilespmem:v4+s0+$0x0 ss:$0x1], $0xffff;
	s24 =	sadd.s32 s28, s24  }
0x5d: {  	s30 =	simm.s32 $0x40;
	v11 =	vnsel vm2, $0x0, v5;
	v12 =	vmul.f32 $1.442695020e+00, v6;
	(erf) = vpow2.f32 v8;
	v8 =	vld.idx.msk [tilespmem:v4+s24+$0x0 ss:$0x1], $0xffff;
	s24 =	sand.u32 $0x1C00, s26  }
0x5e: {  	s28 =	sand.u32 $0x60, s30;
	vm2 =	veq.s32 v7, v3;
	v5 =	vadd.f32 v5, v10;
	v7 =	vadd.f32 v11, v10;
	s24 =	sadd.s32 s24, s22  }
0x5f: {  	v13 =	vor.u32 s31, v0;
	v11 =	vnsel vm2, $0x0, v6;
	s28 =	sadd.s32 s28, s24  }
0x60: {  	s26 =	simm.s32 $0x50;
	v5 =	vadd.f32 v6, v5;
	(erf) = vpow2.f32 v12;
	v6 =	vadd.f32 v11, v7;
	v11 =	vld.idx.msk [tilespmem:v4+s28+$0x0 ss:$0x1], $0xffff  }
0x61: {  	vm2 =	veq.s32 v13, v3;
	s31 =	sand.u32 $0x70, s26;
	v7 =	vor.u32 s29, v0;
	v12 =	vmul.f32 $1.442695020e+00, v9  }
0x62: {  	v13 =	vnsel vm2, $0x0, v9;
	s24 =	sadd.s32 s31, s24;
	vm2 =	veq.s32 v7, v3  }
0x63: {  	v5 =	vadd.f32 v9, v5;
	v7 =	vld.idx.msk [tilespmem:v4+s24+$0x0 ss:$0x1], $0xffff;
	v6 =	vadd.f32 v13, v6;
	(erf) = vpow2.f32 v12  }
0x64: {  	s0 =	simm.s32 $0x300;
	v12 =	vor.u32 s30, v0;
	v9 =	vmul.f32 $1.442695020e+00, v8;
	v13 =	vnsel vm2, $0x0, v8  }
0x65: {  	s25 =	simm.s32 $0x60;
	s28 =	sand.u32 $0x1C00, s0;
	v13 =	vadd.f32 v13, v6;
	v15 =	vmul.f32 $1.442695020e+00, v11  }
0x66: {  	s24 =	simm.s32 $0x70;
	s30 =	sand.u32 $0x60, s25;
	s28 =	sadd.s32 s28, s22;
	v14 =	vadd.f32 v8, v5;
	vm2 =	veq.s32 v12, v3;
	(erf) = vpow2.f32 v9  }
0x67: {  	s31 =	sand.u32 $0x70, s24;
	v5 =	vor.u32 s26, v0;
	s1 =	sadd.s32 s30, s28;
	v16 =	vnsel vm2, $0x0, v11;
	v12 =	vpop (erf);
	(erf) = vpow2.f32 v15  }
0x68: {  	s23 =	sadd.s32 $0x100, s23;
	s28 =	sadd.s32 s31, s28;
	v6 =	vld.idx.msk [tilespmem:v4+s1+$0x0 ss:$0x1], $0xffff;
	vm2 =	veq.s32 v5, v3;
	v9 =	vmul.f32 $1.442695020e+00, v7;
	v11 =	vadd.f32 v11, v14  }
0x69: {  	s29 =	simm.s32 $0x90;
	s26 =	simm.s32 $0x6;
	v5 =	vld.idx.msk [tilespmem:v4+s28+$0x0 ss:$0x1], $0xffff;
	s28 =	simm.s32 $0x400;
	v8 =	vnsel vm2, $0x0, v7;
	v12 =	vadd.f32 v12, v10;
	v10 =	vadd.f32 v16, v13;
	v13 =	vpop (erf)  }
.LBB2_7:
0x6a: {  	s1 =	sadd.s32 $0xFFFFFFF0, s29;
	s26 =	sadd.s32 $0x2, s26  }
0x6b: {  	s30 =	sand.u32 $0x1C00, s28;
	s31 =	sand.u32 $0x70, s29;
	v12 =	vadd.f32 v13, v12;
	p0 =	slt.u32 s26, $0x3C  }
.Ltmp2:
0x6c: {  	v14 =	vor.u32 s25, v0;
	s0 =	sand.u32 $0x60, s1;
	s30 =	sadd.s32 s30, s22;
	v11 =	vadd.f32 v7, v11;
	v10 =	vadd.f32 v8, v10;
	(pc) =	sbr.rel @p0 .LBB2_7-.Ltmp2, $4  }
0x6d: {  	v17 =	vor.u32 s24, v0;
	vm2 =	veq.s32 v14, v3;
	s0 =	sadd.s32 s0, s30;
	s30 =	sadd.s32 s31, s30;
	(erf) = vpow2.f32 v9;
	v13 =	vpop (erf)  }
0x6e: {  	s24 =	smov.u32 s29;
	s25 =	smov.u32 s1;
	v14 =	vmul.f32 $1.442695020e+00, v6;
	v15 =	vnsel vm2, $0x0, v6;
	vm2 =	veq.s32 v17, v3;
	v16 =	vmovc v6;
	v6 =	vld.idx.msk [tilespmem:v4+s0+$0x0 ss:$0x1], $0xffff  }
0x6f: {  	v9 =	vmul.f32 $1.442695020e+00, v5;
	v8 =	vnsel vm2, $0x0, v5;
	v12 =	vadd.f32 v13, v12;
	v7 =	vmovc v5;
	v5 =	vld.idx.msk [tilespmem:v4+s30+$0x0 ss:$0x1], $0xffff  }
0x70: {  	s28 =	sadd.s32 $0x100, s28;
	s29 =	sadd.s32 $0x20, s29;
	v11 =	vadd.f32 v16, v11;
	v10 =	vadd.f32 v15, v10;
	(erf) = vpow2.f32 v14;
	v13 =	vpop (erf)  }
0x71: {  	s0 =	sor.u32 s21, s20  }
0x72: {  	s0 =	sor.u32 $0x1C58, s0  }
0x73: {  	v4 =	vld [tilespmem:s0+$0x4200];
	_ =	sdelay $0x1  }
0x74: {  	(erf) = vpow2.f32 v9;
	v46 =	vmul.f32 $1.442695020e+00, v6;
	_ =	sdelay $0x1  }
0x75: {  	v12 =	vadd.f32 v13, v12;
	v47 =	vmul.f32 $1.442695020e+00, v5;
	(erf) = vpow2.f32 v46  }
0x76: {  	v48 =	vpop (erf);
	v14 =	vmul.f32 $1.442695020e+00, v4  }
0x77: {  	v9 =	vadd.f32 v48, v12;
	(erf) = vpow2.f32 v47  }
0x78: {  	v49 =	vpop (erf);
	(erf) = vpow2.f32 v14  }
0x79: {  	v50 =	vor.u32 s25, v0;
	v7 =	vadd.f32 v7, v11;
	v9 =	vadd.f32 v49, v9  }
0x7a: {  	v52 =	vor.u32 s24, v0;
	v8 =	vadd.f32 v8, v10;
	vm2 =	veq.s32 v50, v3;
	v51 =	vpop (erf)  }
0x7b: {  	v53 =	vnsel vm2, $0x0, v6;
	v54 =	vadd.f32 v6, v7;
	v55 =	vadd.f32 v51, v9  }
0x7c: {  	vm2 =	veq.s32 v52, v3;
	v8 =	vadd.f32 v53, v8;
	v56 =	vpop (erf)  }
0x7d: {  	v10 =	vnsel vm2, $0x0, v5;
	v57 =	vadd.f32 v5, v54;
	v58 =	vadd.f32 v56, v55  }
0x7e: {  	vm2 =	veq.s32 v3, v1;
	v59 =	vadd.f32 v10, v8;
	v61 =	vsel vm0, $0x0, v4;
	v60 =	vpop (erf)  }
0x7f: {  	s19 =	sadd.s32 $0x1, s19;
	vm2 =	vmand vm2, vm1;
	v5 =	vadd.f32 v61, v57;
	v3 =	vadd.f32 v60, v58  }
0x80: {  	p0 =	sne.s32 s19, $0x10;
	v4 =	vnsel vm2, $0x0, v4;
	v62 =	vpop (erf)  }
.Ltmp3:
0x81: {  	v4 =	vadd.f32 v4, v59;
	v5 =	vmul.f32 $-1.001001000e-04, v5;
	v3 =	vadd.f32 v62, v3;
	v63 =	vpop (erf);
	(pc) =	sbr.rel @p0 .LBB2_6-.Ltmp3, $3  }
0x82: {  	v6 =	vsel vm0, $0x0, v63  }
0x83: {  	v4 =	vmul.f32 $-8.998998990e-01, v4;
	v2 =	vadd.f32 v5, v2;
	v3 =	vadd.f32 v6, v3;
	_ =	sdelay $0x1  }
0x84: {  	v2 =	vadd.f32 v4, v2;
	[tilespmem:s23+$0x8200] =	vst v3  }
0x85: {  	[hbm4b:s6+s2] =	stream.linear.scatter [tilespmem:s14], [sflag:$0x4], $0x200, $0x38;
	[tilespmem:$0x8480] =	vst v63  }
0x86: {  	_ =	swait.ge [sflag:s9], $0x200  }
0x87: {  	s17 =	sadd.s32 $0x1, s17;
	[sflag:s9] =	ssyncset.done $0x0  }
0x88: {  	p0 =	sne.s32 s17, s8;
	[sflag:s9] =	ssyncadd.s32 $0xFFFFFE00  }
.Ltmp4:
0x89: {  	[tilespmem:$0x8400] =	vst v2;
	(pc) =	sbr.rel @p0 .LBB2_1-.Ltmp4, $4  }
0x8a: {  	[hbm4b:s7+s2] =	stream.linear.scatter [tilespmem:s15], [sflag:$0x3], $0x10, $0x38;
	[tilespmem:$0x8480] =	vst v63  }
0x8b: {  	_ =	swait.ge [sflag:s16], $0x10  }
0x8c: {  	[sflag:s16] =	ssyncset.done $0x0  }
0x8d: {  	[sflag:s16] =	ssyncadd.s32 $0xFFFFFFF0  }
0x8e: {  	_ =	sfence.sel $0x180000  }
0x8f: {  	[bflag:$0x0] =	sbarrier.arrive $0xFFFF  }
0x90: {  	_ =	strace $0x90000047  }
0x91: {  	s0 =	stileid.u32;
	[bflag:$0x2] =	sbarrier.arrive $0xFFFF  }
0x92: {  	p0 =	sne.s32 s0, $0x0;
	s0 =	rddreg [dreg:$0x1]  }
0x93: {  	s0 =	sadd.s32 @!p0 $0x100000, s0  }
0x94: {  	[sflag:s0] =	ssyncadd.tile.s32 @!p0 $0x1;
	_ =	shalt  }
.Lfunc_end2:
_tile_overlayer_lowered:
.L_overlay_start_2:
0x95: {  	(tag) =	ssettag $0x2  }
0x96: {  	s0 =	rddreg [dreg:$0x0];
	s2 =	stileid.u32  }
0x97: {  	s1 =	rddreg [dreg:$0x1];
	p0 =	sne.s32 s2, $0x0  }
0x98: {  	s3 =	rddreg [dreg:$0x2];
	[bflag:$0x3] =	sbarrier.arrive $0xFFFF;
	s2 =	simm.s32 @!p0 $0x1C04  }
0x99: {  	[timem:s3], [sflag:s2] =	dma.local @!p0 [hbm:s0], s1  }
0x9a: {  	s0 =	simm.s32 @!p0 $0x4  }
0x9b: {  	_ =	swait.ge @!p0 [sflag:s0], s1  }
0x9c: {  	s1 =	ssub.s32 @!p0 $0x0, s1;
	[sflag:s0] =	ssyncset.done @!p0 $0x0  }
0x9d: {  	[sflag:s0] =	ssyncadd.s32 @!p0 s1  }
0x9e: {  	[bflag:$0x3] =	sbarrier.arrive $0xFFFF  }
0x9f: {  	_ =	shalt  }

</sc_bundles>
